<compile_context>
chip_gen: v7x
topology: tpu7x:2x2x1
jax: 0.10.2.dev20260603
libtpu: 0.0.44.dev20260713+nightly
codegen_flags: <defaults>
</compile_context>

<pallas_src>
import functools

import jax
import jax.numpy as jnp
from jax import lax
from jax.experimental import pallas as pl
from jax.experimental.pallas import tpu as pltpu

N = 10000
NPAD = 10240
SUB, LANE = 8, 1280
H, W = 32, 32
FX, FY, CX, CY = 30.0, 30.0, 16.0, 16.0

C0 = 0.28209479177387814
C1 = 0.4886025119029199
C2 = (1.0925484305920792, -1.0925484305920792, 0.31539156525252005,
      -1.0925484305920792, 0.5462742152960396)
C3 = (-0.5900435899266435, 2.890611442640554, -0.4570457994644658,
      0.3731763325901154, -0.4570457994644658, 1.445305721320277,
      -0.5900435899266435)

NATTR = 10
DTAB = 16
GCHUNK = 512
NGRID = NPAD // GCHUNK
UNROLL = 8
LOG2E = 1.4426950408889634

def _bf(x):
    return x.astype(jnp.bfloat16).astype(jnp.float32)


def _stage_kernel(sc_ref, feat_ref, attrs_ref, areas_ref):
    f = lambda i: feat_ref[i]
    r = [sc_ref[i] for i in range(9)]
    t = [sc_ref[9 + i] for i in range(3)]
    br = [sc_ref[16 + i] for i in range(9)]

    px, py, pz = f(0), f(1), f(2)
    bpx, bpy, bpz = _bf(px), _bf(py), _bf(pz)
    pcx = bpx * br[0] + bpy * br[1] + bpz * br[2] + t[0]
    pcy = bpx * br[3] + bpy * br[4] + bpz * br[5] + t[1]
    pcz = bpx * br[6] + bpy * br[7] + bpz * br[8] + t[2]
    depth = pcz
    ux = FX * pcx / depth + CX
    uy = FY * pcy / depth + CY

    qw, qx, qy, qz = f(55), f(56), f(57), f(58)
    qn = jnp.sqrt(qw * qw + qx * qx + qy * qy + qz * qz) + 1e-12
    w, x, y, z = qw / qn, qx / qn, qy / qn, qz / qn
    R00 = 1 - 2 * (y * y + z * z)
    R01 = 2 * (x * y - w * z)
    R02 = 2 * (x * z + w * y)
    R10 = 2 * (x * y + w * z)
    R11 = 1 - 2 * (x * x + z * z)
    R12 = 2 * (y * z - w * x)
    R20 = 2 * (x * z - w * y)
    R21 = 2 * (y * z + w * x)
    R22 = 1 - 2 * (x * x + y * y)

    s0, s1, s2 = jnp.exp(f(52)), jnp.exp(f(53)), jnp.exp(f(54))
    M00, M01, M02 = _bf(R00 * s0), _bf(R01 * s1), _bf(R02 * s2)
    M10, M11, M12 = _bf(R10 * s0), _bf(R11 * s1), _bf(R12 * s2)
    M20, M21, M22 = _bf(R20 * s0), _bf(R21 * s1), _bf(R22 * s2)
    S00 = _bf(M00 * M00 + M01 * M01 + M02 * M02)
    S01 = _bf(M00 * M10 + M01 * M11 + M02 * M12)
    S02 = _bf(M00 * M20 + M01 * M21 + M02 * M22)
    S11 = _bf(M10 * M10 + M11 * M11 + M12 * M12)
    S12 = _bf(M10 * M20 + M11 * M21 + M12 * M22)
    S22 = _bf(M20 * M20 + M21 * M21 + M22 * M22)

    j00 = _bf(FX / depth)
    j02 = _bf(-FX * pcx / (depth * depth))
    j11 = _bf(FY / depth)
    j12 = _bf(-FY * pcy / (depth * depth))
    T0a = _bf(j00 * br[0] + j02 * br[6])
    T0b = _bf(j00 * br[1] + j02 * br[7])
    T0c = _bf(j00 * br[2] + j02 * br[8])
    T1a = _bf(j11 * br[3] + j12 * br[6])
    T1b = _bf(j11 * br[4] + j12 * br[7])
    T1c = _bf(j11 * br[5] + j12 * br[8])
    P0a = _bf(T0a * S00 + T0b * S01 + T0c * S02)
    P0b = _bf(T0a * S01 + T0b * S11 + T0c * S12)
    P0c = _bf(T0a * S02 + T0b * S12 + T0c * S22)
    P1a = _bf(T1a * S00 + T1b * S01 + T1c * S02)
    P1b = _bf(T1a * S01 + T1b * S11 + T1c * S12)
    P1c = _bf(T1a * S02 + T1b * S12 + T1c * S22)
    a = P0a * T0a + P0b * T0b + P0c * T0c + 0.3
    b = P0a * T1a + P0b * T1b + P0c * T1c
    c = P1a * T1a + P1b * T1b + P1c * T1c + 0.3

    det = a * c - b * b
    ca2 = (-0.5 * LOG2E) * (c / det)
    cb2 = -LOG2E * (-b / det)
    cc2 = (-0.5 * LOG2E) * (a / det)
    area_x = jnp.ceil(3.0 * jnp.sqrt(a))
    area_y = jnp.ceil(3.0 * jnp.sqrt(c))

    twx = -(r[0] * t[0] + r[3] * t[1] + r[6] * t[2])
    twy = -(r[1] * t[0] + r[4] * t[1] + r[7] * t[2])
    twz = -(r[2] * t[0] + r[5] * t[1] + r[8] * t[2])
    dx = px - twx
    dy = py - twy
    dz = pz - twz
    dn = jnp.sqrt(dx * dx + dy * dy + dz * dz) + 1e-12
    dx, dy, dz = dx / dn, dy / dn, dz / dn

    xx, yy, zz = dx * dx, dy * dy, dz * dz
    xy, yz, xz = dx * dy, dy * dz, dx * dz
    basis = [
        None,
        -C1 * dy, C1 * dz, -C1 * dx,
        C2[0] * xy, C2[1] * yz, C2[2] * (2 * zz - xx - yy),
        C2[3] * xz, C2[4] * (xx - yy),
        C3[0] * dy * (3 * xx - yy), C3[1] * xy * dz,
        C3[2] * dy * (4 * zz - xx - yy),
        C3[3] * dz * (2 * zz - 3 * xx - 3 * yy),
        C3[4] * dx * (4 * zz - xx - yy),
        C3[5] * dz * (xx - yy), C3[6] * dx * (xx - 3 * yy),
    ]
    cols = []
    for ch in range(3):
        sh = lambda k: feat_ref[3 + 3 * k + ch]
        col = C0 * sh(0)
        for k in range(1, 16):
            col = col + basis[k] * sh(k)
        cols.append(_bf(jnp.maximum(col + 0.5, 0.0)))

    alpha = 1.0 / (1.0 + jnp.exp(-f(51)))

    gid = (lax.broadcasted_iota(jnp.int32, (SUB, LANE), 0) * LANE
           + lax.broadcasted_iota(jnp.int32, (SUB, LANE), 1))
    pad = gid >= N
    depth = jnp.where(pad, jnp.inf, depth)
    alpha = jnp.where(pad, 0.0, alpha)

    attrs_ref[0] = ux
    attrs_ref[1] = uy
    attrs_ref[2] = ca2
    attrs_ref[3] = cb2
    attrs_ref[4] = cc2
    attrs_ref[5] = alpha
    attrs_ref[6] = cols[0]
    attrs_ref[7] = cols[1]
    attrs_ref[8] = cols[2]
    attrs_ref[9] = depth
    areas_ref[0] = area_x
    areas_ref[1] = area_y


def _splat_kernel(chunk_ref, out_ref, st_ref):
    i = pl.program_id(0)

    @pl.when(i == 0)
    def _():
        st_ref[0] = jnp.ones((8, 128), jnp.float32)
        st_ref[1] = jnp.zeros((8, 128), jnp.float32)
        st_ref[2] = jnp.zeros((8, 128), jnp.float32)
        st_ref[3] = jnp.zeros((8, 128), jnp.float32)

    p = (lax.broadcasted_iota(jnp.int32, (8, 128), 0) * 128
         + lax.broadcasted_iota(jnp.int32, (8, 128), 1))
    xf = (p % W).astype(jnp.float32)
    yf = (p // W).astype(jnp.float32)

    def body(gu, carry):
        T, aR, aG, aB = carry
        g0 = gu * UNROLL
        for k in range(UNROLL):
            g = g0 + k
            ux = chunk_ref[0, g]
            uy = chunk_ref[1, g]
            ca = chunk_ref[2, g]
            cb = chunk_ref[3, g]
            cc = chunk_ref[4, g]
            al = chunk_ref[5, g]
            cr = chunk_ref[6, g]
            cg = chunk_ref[7, g]
            cbl = chunk_ref[8, g]
            dx = xf - ux
            dy = yf - uy
            p2 = (ca * dx + cb * dy) * dx + (cc * dy) * dy
            gv = jnp.exp2(jnp.minimum(p2, 0.0))
            ae = jnp.minimum(al * gv, 0.99)
            ae = jnp.where(ae < (1.0 / 255.0), 0.0, ae)
            wgt = ae * T
            T = T - wgt
            aR = aR + wgt * cr
            aG = aG + wgt * cg
            aB = aB + wgt * cbl
        return (T, aR, aG, aB)

    T, aR, aG, aB = lax.fori_loop(
        0, GCHUNK // UNROLL, body, (st_ref[0], st_ref[1], st_ref[2], st_ref[3]))
    st_ref[0] = T
    st_ref[1] = aR
    st_ref[2] = aG
    st_ref[3] = aB

    @pl.when(i == NGRID - 1)
    def _():
        out_ref[0] = aR
        out_ref[1] = aG
        out_ref[2] = aB


def kernel(pws, shs, alphas_raw, scales_raw, rots_raw, us, Rcw, tcw):
    del us
    feat = jnp.concatenate(
        [pws.T, shs.T, alphas_raw.T, scales_raw.T, rots_raw.T], axis=0)
    feat = jnp.pad(feat, ((0, 64 - feat.shape[0]), (0, NPAD - N)))
    feat = feat.reshape(64, SUB, LANE)
    sc = jnp.concatenate(
        [Rcw.reshape(9), tcw.reshape(3), jnp.zeros(4, jnp.float32),
         Rcw.reshape(9).astype(jnp.bfloat16).astype(jnp.float32),
         jnp.zeros(7, jnp.float32)])

    attrs, areas2 = pl.pallas_call(
        _stage_kernel,
        grid=(),
        in_specs=[
            pl.BlockSpec(memory_space=pltpu.SMEM),
            pl.BlockSpec(memory_space=pltpu.VMEM),
        ],
        out_specs=[
            pl.BlockSpec(memory_space=pltpu.VMEM),
            pl.BlockSpec(memory_space=pltpu.VMEM),
        ],
        out_shape=[
            jax.ShapeDtypeStruct((NATTR, SUB, LANE), jnp.float32),
            jax.ShapeDtypeStruct((2, SUB, LANE), jnp.float32),
        ],
    )(sc, feat)

    attrs_flat = attrs.reshape(NATTR, NPAD)
    order = jnp.argsort(attrs_flat[9]).astype(jnp.int32)
    chunks = attrs_flat[:, order]

    img = pl.pallas_call(
        _splat_kernel,
        grid=(NGRID,),
        in_specs=[
            pl.BlockSpec((NATTR, GCHUNK), lambda i: (0, i),
                         memory_space=pltpu.SMEM),
        ],
        out_specs=pl.BlockSpec((3, 8, 128), lambda i: (0, 0, 0)),
        out_shape=jax.ShapeDtypeStruct((3, 8, 128), jnp.float32),
        scratch_shapes=[pltpu.VMEM((4, 8, 128), jnp.float32)],
    )(chunks)

    image = img.reshape(3, H, W)
    areas = areas2.reshape(2, NPAD)[:, :N].T
    return image, areas

# --- scband reference (transcript-rebuilt; emitter-appended) ---
"""Pipeline reference for scband-gsmodel-73469710566056 (READ-ONLY COPY).

The authoritative reference and input builder live on the scoring server;
editing this copy changes nothing except your own understanding.
"""

import jax, jax.numpy as jnp
import numpy as np

N = 10000
H, W = 32, 32
FX, FY, CX, CY = 30.0, 30.0, 16.0, 16.0

C0 = 0.28209479177387814
C1 = 0.4886025119029199
C2 = (1.0925484305920792, -1.0925484305920792, 0.31539156525252005, -1.0925484305920792, 0.5462742152960396)
C3 = (-0.5900435899266435, 2.890611442640554, -0.4570457994644658, 0.3731763325901154, -0.4570457994644658, 1.445305721320277, -0.5900435899266435)

def quat_to_rot(q):
    w, x, y, z = q[:, 0], q[:, 1], q[:, 2], q[:, 3]
    R = jnp.stack([
        1 - 2 * (y * y + z * z), 2 * (x * y - w * z), 2 * (x * z + w * y),
        2 * (x * y + w * z), 1 - 2 * (x * x + z * z), 2 * (y * z - w * x),
        2 * (x * z - w * y), 2 * (y * z + w * x), 1 - 2 * (x * x + y * y)
    ], axis=-1).reshape(-1, 3, 3)
    return R

def sh_to_color(sh, dirs):
    x, y, z = dirs[:, 0:1], dirs[:, 1:2], dirs[:, 2:3]
    xx, yy, zz = x * x, y * y, z * z
    xy, yz, xz = x * y, y * z, x * z
    res = C0 * sh[:, 0]
    res = res - C1 * y * sh[:, 1] + C1 * z * sh[:, 2] - C1 * x * sh[:, 3]
    res = (res + C2[0] * xy * sh[:, 4] + C2[1] * yz * sh[:, 5]
           + C2[2] * (2 * zz - xx - yy) * sh[:, 6]
           + C2[3] * xz * sh[:, 7] + C2[4] * (xx - yy) * sh[:, 8])
    res = (res + C3[0] * y * (3 * xx - yy) * sh[:, 9] + C3[1] * xy * z * sh[:, 10]
           + C3[2] * y * (4 * zz - xx - yy) * sh[:, 11]
           + C3[3] * z * (2 * zz - 3 * xx - 3 * yy) * sh[:, 12]
           + C3[4] * x * (4 * zz - xx - yy) * sh[:, 13]
           + C3[5] * z * (xx - yy) * sh[:, 14]
           + C3[6] * x * (xx - 3 * yy) * sh[:, 15])
    return jnp.maximum(res + 0.5, 0.0)

def _forward(pws, shs, alphas_raw, scales_raw, rots_raw, us, Rcw, tcw):
    alphas = jax.nn.sigmoid(alphas_raw)
    scales = jnp.exp(scales_raw)
    rots = rots_raw / (jnp.linalg.norm(rots_raw, axis=-1, keepdims=True) + 1e-12)
    # project
    pcs = pws @ Rcw.T + tcw
    depths = pcs[:, 2]
    us_proj = jnp.stack([FX * pcs[:, 0] / depths + CX,
                         FY * pcs[:, 1] / depths + CY], axis=-1)
    # straight-through: route splat's d(loss)/d(u) into the dummy `us` input (mimics GSFunction hack)
    us_proj = us_proj + us - jax.lax.stop_gradient(us)
    # computeCov3D
    Rm = quat_to_rot(rots)
    M = Rm * scales[:, None, :]
    cov3d = M @ jnp.swapaxes(M, 1, 2)
    # computeCov2D
    z_ = depths
    zeros = jnp.zeros_like(z_)
    J = jnp.stack([FX / z_, zeros, -FX * pcs[:, 0] / (z_ * z_),
                   zeros, FY / z_, -FY * pcs[:, 1] / (z_ * z_)], axis=-1).reshape(-1, 2, 3)
    T = J @ Rcw[None]
    cov2d = T @ cov3d @ jnp.swapaxes(T, 1, 2) + 0.3 * jnp.eye(2, dtype=pws.dtype)[None]
    # sh2Color
    twc = -Rcw.T @ tcw
    dirs = pws - twc[None]
    dirs = dirs / (jnp.linalg.norm(dirs, axis=-1, keepdims=True) + 1e-12)
    colors = sh_to_color(shs.reshape(-1, 16, 3), dirs)
    # inverseCov2D + areas
    a, b, c = cov2d[:, 0, 0], cov2d[:, 0, 1], cov2d[:, 1, 1]
    det = a * c - b * b
    cinv = jnp.stack([c / det, -b / det, a / det], axis=-1)
    areas = jnp.ceil(3.0 * jnp.sqrt(jnp.stack([a, c], axis=-1)))
    # splat: depth-sorted front-to-back alpha compositing
    order = jnp.argsort(depths)
    us_s = us_proj[order]
    cinv_s = cinv[order]
    al_s = alphas[order, 0]
    col_s = colors[order]
    ys, xs = jnp.meshgrid(jnp.arange(H, dtype=pws.dtype),
                          jnp.arange(W, dtype=pws.dtype), indexing='ij')
    pix = jnp.stack([xs.ravel(), ys.ravel()], axis=-1)  # [P, 2]
    dx = pix[None, :, 0] - us_s[:, None, 0]
    dy = pix[None, :, 1] - us_s[:, None, 1]
    power = -0.5 * (cinv_s[:, 0:1] * dx * dx + 2.0 * cinv_s[:, 1:2] * dx * dy + cinv_s[:, 2:3] * dy * dy)
    g = jnp.exp(jnp.minimum(power, 0.0))
    alpha_eff = jnp.minimum(al_s[:, None] * g, 0.99)
    alpha_eff = jnp.where(alpha_eff < (1.0 / 255.0), 0.0, alpha_eff)
    log_t = jnp.cumsum(jnp.log1p(-alpha_eff), axis=0)
    tau_excl = jnp.exp(jnp.concatenate([jnp.zeros((1, alpha_eff.shape[1]), dtype=alpha_eff.dtype), log_t[:-1]], axis=0))
    wgt = alpha_eff * tau_excl
    image = jnp.einsum('np,nc->cp', wgt, col_s).reshape(3, H, W)
    return image, areas

def setup_inputs(seed: int = 0):
    key = jax.random.key(seed)
    ks = jax.random.split(key, 6)
    pws = jax.random.normal(ks[0], (N, 3), dtype=jnp.float32)
    shs = jax.random.normal(ks[1], (N, 48), dtype=jnp.float32) * 0.5
    alphas_raw = jax.random.normal(ks[2], (N, 1), dtype=jnp.float32)
    scales_raw = jax.random.normal(ks[3], (N, 3), dtype=jnp.float32) * 0.5 - 2.0
    rots_raw = jax.random.normal(ks[4], (N, 4), dtype=jnp.float32)
    us = jnp.zeros((N, 2), dtype=jnp.float32)
    Rcw = jnp.eye(3, dtype=jnp.float32)
    tcw = jnp.array([0.0, 0.0, 8.0], dtype=jnp.float32)
    return {"pws": pws, "shs": shs, "alphas_raw": alphas_raw, "scales_raw": scales_raw, "rots_raw": rots_raw, "us": us, "Rcw": Rcw, "tcw": tcw}

def reference(pws, shs, alphas_raw, scales_raw, rots_raw, us, Rcw, tcw):
    return _forward(pws, shs, alphas_raw, scales_raw, rots_raw, us, Rcw, tcw)

if __name__ == "__main__":
    import jax
    _d = setup_inputs()
    print(jax.jit(kernel)(*tuple(_d.values())))

</pallas_src>

<mosaic_0001>
module attributes {stable_mosaic.version = 14 : i64} {
  func.func @_stage_kernel(%arg0: memref<32xf32, #tpu.memory_space<smem>>, %arg1: memref<64x8x1280xf32, #tpu.memory_space<vmem>>, %arg2: memref<10x8x1280xf32, #tpu.memory_space<vmem>>, %arg3: memref<2x8x1280xf32, #tpu.memory_space<vmem>>) attributes {dimension_semantics = [], scalar_prefetch = 0 : i64, scratch_operands = 0 : i64, tpu.core_type = #tpu.core_type<tc>} {
    %get3A = arith.constant 0 : index
    %get3A_0 = memref.load %arg0[%get3A] : memref<32xf32, #tpu.memory_space<smem>>
    %get3A_1 = arith.constant 1 : index
    %get3A_2 = memref.load %arg0[%get3A_1] : memref<32xf32, #tpu.memory_space<smem>>
    %get3A_3 = arith.constant 2 : index
    %get3A_4 = memref.load %arg0[%get3A_3] : memref<32xf32, #tpu.memory_space<smem>>
    %get3A_5 = arith.constant 3 : index
    %get3A_6 = memref.load %arg0[%get3A_5] : memref<32xf32, #tpu.memory_space<smem>>
    %get3A_7 = arith.constant 4 : index
    %get3A_8 = memref.load %arg0[%get3A_7] : memref<32xf32, #tpu.memory_space<smem>>
    %get3A_9 = arith.constant 5 : index
    %get3A_10 = memref.load %arg0[%get3A_9] : memref<32xf32, #tpu.memory_space<smem>>
    %get3A_11 = arith.constant 6 : index
    %get3A_12 = memref.load %arg0[%get3A_11] : memref<32xf32, #tpu.memory_space<smem>>
    %get3A_13 = arith.constant 7 : index
    %get3A_14 = memref.load %arg0[%get3A_13] : memref<32xf32, #tpu.memory_space<smem>>
    %get3A_15 = arith.constant 8 : index
    %get3A_16 = memref.load %arg0[%get3A_15] : memref<32xf32, #tpu.memory_space<smem>>
    %get3A_17 = arith.constant 9 : index
    %get3A_18 = memref.load %arg0[%get3A_17] : memref<32xf32, #tpu.memory_space<smem>>
    %get3A_19 = arith.constant 10 : index
    %get3A_20 = memref.load %arg0[%get3A_19] : memref<32xf32, #tpu.memory_space<smem>>
    %get3A_21 = arith.constant 11 : index
    %get3A_22 = memref.load %arg0[%get3A_21] : memref<32xf32, #tpu.memory_space<smem>>
    %get3A_23 = arith.constant 16 : index
    %get3A_24 = memref.load %arg0[%get3A_23] : memref<32xf32, #tpu.memory_space<smem>>
    %get3A_25 = arith.constant 17 : index
    %get3A_26 = memref.load %arg0[%get3A_25] : memref<32xf32, #tpu.memory_space<smem>>
    %get3A_27 = arith.constant 18 : index
    %get3A_28 = memref.load %arg0[%get3A_27] : memref<32xf32, #tpu.memory_space<smem>>
    %get3A_29 = arith.constant 19 : index
    %get3A_30 = memref.load %arg0[%get3A_29] : memref<32xf32, #tpu.memory_space<smem>>
    %get3A_31 = arith.constant 20 : index
    %get3A_32 = memref.load %arg0[%get3A_31] : memref<32xf32, #tpu.memory_space<smem>>
    %get3A_33 = arith.constant 21 : index
    %get3A_34 = memref.load %arg0[%get3A_33] : memref<32xf32, #tpu.memory_space<smem>>
    %get3A_35 = arith.constant 22 : index
    %get3A_36 = memref.load %arg0[%get3A_35] : memref<32xf32, #tpu.memory_space<smem>>
    %get3A_37 = arith.constant 23 : index
    %get3A_38 = memref.load %arg0[%get3A_37] : memref<32xf32, #tpu.memory_space<smem>>
    %get3A_39 = arith.constant 24 : index
    %get3A_40 = memref.load %arg0[%get3A_39] : memref<32xf32, #tpu.memory_space<smem>>
    %get3A_41 = arith.constant 0 : index
    %get3A_42 = arith.constant 0 : index
    %get3A_43 = arith.constant 0 : index
    %get3A_44 = vector.load %arg1[%get3A_41, %get3A_42, %get3A_43] : memref<64x8x1280xf32, #tpu.memory_space<vmem>>, vector<1x8x1280xf32>
    %get3A_45 = vector.shape_cast %get3A_44 : vector<1x8x1280xf32> to vector<8x1280xf32>
    %get3A_46 = arith.constant 1 : index
    %get3A_47 = arith.constant 0 : index
    %get3A_48 = arith.constant 0 : index
    %get3A_49 = vector.load %arg1[%get3A_46, %get3A_47, %get3A_48] : memref<64x8x1280xf32, #tpu.memory_space<vmem>>, vector<1x8x1280xf32>
    %get3A_50 = vector.shape_cast %get3A_49 : vector<1x8x1280xf32> to vector<8x1280xf32>
    %get3A_51 = arith.constant 2 : index
    %get3A_52 = arith.constant 0 : index
    %get3A_53 = arith.constant 0 : index
    %get3A_54 = vector.load %arg1[%get3A_51, %get3A_52, %get3A_53] : memref<64x8x1280xf32, #tpu.memory_space<vmem>>, vector<1x8x1280xf32>
    %get3A_55 = vector.shape_cast %get3A_54 : vector<1x8x1280xf32> to vector<8x1280xf32>
    %convert_element_type3A = arith.truncf %get3A_45 : vector<8x1280xf32> to vector<8x1280xbf16>
    %convert_element_type3A_56 = arith.extf %convert_element_type3A : vector<8x1280xbf16> to vector<8x1280xf32>
    %convert_element_type3A_57 = arith.truncf %get3A_50 : vector<8x1280xf32> to vector<8x1280xbf16>
    %convert_element_type3A_58 = arith.extf %convert_element_type3A_57 : vector<8x1280xbf16> to vector<8x1280xf32>
    %convert_element_type3A_59 = arith.truncf %get3A_55 : vector<8x1280xf32> to vector<8x1280xbf16>
    %convert_element_type3A_60 = arith.extf %convert_element_type3A_59 : vector<8x1280xbf16> to vector<8x1280xf32>
    %mul3A = vector.broadcast %get3A_24 : f32 to vector<8x1280xf32>
    %mul3A_61 = arith.mulf %convert_element_type3A_56, %mul3A : vector<8x1280xf32>
    %mul3A_62 = vector.broadcast %get3A_26 : f32 to vector<8x1280xf32>
    %mul3A_63 = arith.mulf %convert_element_type3A_58, %mul3A_62 : vector<8x1280xf32>
    %add3A = arith.addf %mul3A_61, %mul3A_63 : vector<8x1280xf32>
    %mul3A_64 = vector.broadcast %get3A_28 : f32 to vector<8x1280xf32>
    %mul3A_65 = arith.mulf %convert_element_type3A_60, %mul3A_64 : vector<8x1280xf32>
    %add3A_66 = arith.addf %add3A, %mul3A_65 : vector<8x1280xf32>
    %add3A_67 = vector.broadcast %get3A_18 : f32 to vector<8x1280xf32>
    %add3A_68 = arith.addf %add3A_66, %add3A_67 : vector<8x1280xf32>
    %mul3A_69 = vector.broadcast %get3A_30 : f32 to vector<8x1280xf32>
    %mul3A_70 = arith.mulf %convert_element_type3A_56, %mul3A_69 : vector<8x1280xf32>
    %mul3A_71 = vector.broadcast %get3A_32 : f32 to vector<8x1280xf32>
    %mul3A_72 = arith.mulf %convert_element_type3A_58, %mul3A_71 : vector<8x1280xf32>
    %add3A_73 = arith.addf %mul3A_70, %mul3A_72 : vector<8x1280xf32>
    %mul3A_74 = vector.broadcast %get3A_34 : f32 to vector<8x1280xf32>
    %mul3A_75 = arith.mulf %convert_element_type3A_60, %mul3A_74 : vector<8x1280xf32>
    %add3A_76 = arith.addf %add3A_73, %mul3A_75 : vector<8x1280xf32>
    %add3A_77 = vector.broadcast %get3A_20 : f32 to vector<8x1280xf32>
    %add3A_78 = arith.addf %add3A_76, %add3A_77 : vector<8x1280xf32>
    %mul3A_79 = vector.broadcast %get3A_36 : f32 to vector<8x1280xf32>
    %mul3A_80 = arith.mulf %convert_element_type3A_56, %mul3A_79 : vector<8x1280xf32>
    %mul3A_81 = vector.broadcast %get3A_38 : f32 to vector<8x1280xf32>
    %mul3A_82 = arith.mulf %convert_element_type3A_58, %mul3A_81 : vector<8x1280xf32>
    %add3A_83 = arith.addf %mul3A_80, %mul3A_82 : vector<8x1280xf32>
    %mul3A_84 = vector.broadcast %get3A_40 : f32 to vector<8x1280xf32>
    %mul3A_85 = arith.mulf %convert_element_type3A_60, %mul3A_84 : vector<8x1280xf32>
    %add3A_86 = arith.addf %add3A_83, %mul3A_85 : vector<8x1280xf32>
    %add3A_87 = vector.broadcast %get3A_22 : f32 to vector<8x1280xf32>
    %add3A_88 = arith.addf %add3A_86, %add3A_87 : vector<8x1280xf32>
    %mul3A_89 = arith.constant 3.000000e+01 : f32
    %mul3A_90 = vector.broadcast %mul3A_89 : f32 to vector<8x1280xf32>
    %mul3A_91 = arith.mulf %mul3A_90, %add3A_68 : vector<8x1280xf32>
    %div3A = arith.divf %mul3A_91, %add3A_88 : vector<8x1280xf32>
    %add3A_92 = arith.constant 1.600000e+01 : f32
    %add3A_93 = vector.broadcast %add3A_92 : f32 to vector<8x1280xf32>
    %add3A_94 = arith.addf %div3A, %add3A_93 : vector<8x1280xf32>
    %mul3A_95 = arith.constant 3.000000e+01 : f32
    %mul3A_96 = vector.broadcast %mul3A_95 : f32 to vector<8x1280xf32>
    %mul3A_97 = arith.mulf %mul3A_96, %add3A_78 : vector<8x1280xf32>
    %div3A_98 = arith.divf %mul3A_97, %add3A_88 : vector<8x1280xf32>
    %add3A_99 = arith.constant 1.600000e+01 : f32
    %add3A_100 = vector.broadcast %add3A_99 : f32 to vector<8x1280xf32>
    %add3A_101 = arith.addf %div3A_98, %add3A_100 : vector<8x1280xf32>
    %get3A_102 = arith.constant 55 : index
    %get3A_103 = arith.constant 0 : index
    %get3A_104 = arith.constant 0 : index
    %get3A_105 = vector.load %arg1[%get3A_102, %get3A_103, %get3A_104] : memref<64x8x1280xf32, #tpu.memory_space<vmem>>, vector<1x8x1280xf32>
    %get3A_106 = vector.shape_cast %get3A_105 : vector<1x8x1280xf32> to vector<8x1280xf32>
    %get3A_107 = arith.constant 56 : index
    %get3A_108 = arith.constant 0 : index
    %get3A_109 = arith.constant 0 : index
    %get3A_110 = vector.load %arg1[%get3A_107, %get3A_108, %get3A_109] : memref<64x8x1280xf32, #tpu.memory_space<vmem>>, vector<1x8x1280xf32>
    %get3A_111 = vector.shape_cast %get3A_110 : vector<1x8x1280xf32> to vector<8x1280xf32>
    %get3A_112 = arith.constant 57 : index
    %get3A_113 = arith.constant 0 : index
    %get3A_114 = arith.constant 0 : index
    %get3A_115 = vector.load %arg1[%get3A_112, %get3A_113, %get3A_114] : memref<64x8x1280xf32, #tpu.memory_space<vmem>>, vector<1x8x1280xf32>
    %get3A_116 = vector.shape_cast %get3A_115 : vector<1x8x1280xf32> to vector<8x1280xf32>
    %get3A_117 = arith.constant 58 : index
    %get3A_118 = arith.constant 0 : index
    %get3A_119 = arith.constant 0 : index
    %get3A_120 = vector.load %arg1[%get3A_117, %get3A_118, %get3A_119] : memref<64x8x1280xf32, #tpu.memory_space<vmem>>, vector<1x8x1280xf32>
    %get3A_121 = vector.shape_cast %get3A_120 : vector<1x8x1280xf32> to vector<8x1280xf32>
    %mul3A_122 = arith.mulf %get3A_106, %get3A_106 : vector<8x1280xf32>
    %mul3A_123 = arith.mulf %get3A_111, %get3A_111 : vector<8x1280xf32>
    %add3A_124 = arith.addf %mul3A_122, %mul3A_123 : vector<8x1280xf32>
    %mul3A_125 = arith.mulf %get3A_116, %get3A_116 : vector<8x1280xf32>
    %add3A_126 = arith.addf %add3A_124, %mul3A_125 : vector<8x1280xf32>
    %mul3A_127 = arith.mulf %get3A_121, %get3A_121 : vector<8x1280xf32>
    %add3A_128 = arith.addf %add3A_126, %mul3A_127 : vector<8x1280xf32>
    %sqrt3A = math.sqrt %add3A_128 : vector<8x1280xf32>
    %add3A_129 = arith.constant 9.99999996E-13 : f32
    %add3A_130 = vector.broadcast %add3A_129 : f32 to vector<8x1280xf32>
    %add3A_131 = arith.addf %sqrt3A, %add3A_130 : vector<8x1280xf32>
    %div3A_132 = arith.divf %get3A_106, %add3A_131 : vector<8x1280xf32>
    %div3A_133 = arith.divf %get3A_111, %add3A_131 : vector<8x1280xf32>
    %div3A_134 = arith.divf %get3A_116, %add3A_131 : vector<8x1280xf32>
    %div3A_135 = arith.divf %get3A_121, %add3A_131 : vector<8x1280xf32>
    %mul3A_136 = arith.mulf %div3A_134, %div3A_134 : vector<8x1280xf32>
    %mul3A_137 = arith.mulf %div3A_135, %div3A_135 : vector<8x1280xf32>
    %add3A_138 = arith.addf %mul3A_136, %mul3A_137 : vector<8x1280xf32>
    %mul3A_139 = arith.constant 2.000000e+00 : f32
    %mul3A_140 = vector.broadcast %mul3A_139 : f32 to vector<8x1280xf32>
    %mul3A_141 = arith.mulf %mul3A_140, %add3A_138 : vector<8x1280xf32>
    %sub3A = arith.constant 1.000000e+00 : f32
    %sub3A_142 = vector.broadcast %sub3A : f32 to vector<8x1280xf32>
    %sub3A_143 = arith.subf %sub3A_142, %mul3A_141 : vector<8x1280xf32>
    %mul3A_144 = arith.mulf %div3A_133, %div3A_134 : vector<8x1280xf32>
    %mul3A_145 = arith.mulf %div3A_132, %div3A_135 : vector<8x1280xf32>
    %sub3A_146 = arith.subf %mul3A_144, %mul3A_145 : vector<8x1280xf32>
    %mul3A_147 = arith.constant 2.000000e+00 : f32
    %mul3A_148 = vector.broadcast %mul3A_147 : f32 to vector<8x1280xf32>
    %mul3A_149 = arith.mulf %mul3A_148, %sub3A_146 : vector<8x1280xf32>
    %mul3A_150 = arith.mulf %div3A_133, %div3A_135 : vector<8x1280xf32>
    %mul3A_151 = arith.mulf %div3A_132, %div3A_134 : vector<8x1280xf32>
    %add3A_152 = arith.addf %mul3A_150, %mul3A_151 : vector<8x1280xf32>
    %mul3A_153 = arith.constant 2.000000e+00 : f32
    %mul3A_154 = vector.broadcast %mul3A_153 : f32 to vector<8x1280xf32>
    %mul3A_155 = arith.mulf %mul3A_154, %add3A_152 : vector<8x1280xf32>
    %mul3A_156 = arith.mulf %div3A_133, %div3A_134 : vector<8x1280xf32>
    %mul3A_157 = arith.mulf %div3A_132, %div3A_135 : vector<8x1280xf32>
    %add3A_158 = arith.addf %mul3A_156, %mul3A_157 : vector<8x1280xf32>
    %mul3A_159 = arith.constant 2.000000e+00 : f32
    %mul3A_160 = vector.broadcast %mul3A_159 : f32 to vector<8x1280xf32>
    %mul3A_161 = arith.mulf %mul3A_160, %add3A_158 : vector<8x1280xf32>
    %mul3A_162 = arith.mulf %div3A_133, %div3A_133 : vector<8x1280xf32>
    %mul3A_163 = arith.mulf %div3A_135, %div3A_135 : vector<8x1280xf32>
    %add3A_164 = arith.addf %mul3A_162, %mul3A_163 : vector<8x1280xf32>
    %mul3A_165 = arith.constant 2.000000e+00 : f32
    %mul3A_166 = vector.broadcast %mul3A_165 : f32 to vector<8x1280xf32>
    %mul3A_167 = arith.mulf %mul3A_166, %add3A_164 : vector<8x1280xf32>
    %sub3A_168 = arith.constant 1.000000e+00 : f32
    %sub3A_169 = vector.broadcast %sub3A_168 : f32 to vector<8x1280xf32>
    %sub3A_170 = arith.subf %sub3A_169, %mul3A_167 : vector<8x1280xf32>
    %mul3A_171 = arith.mulf %div3A_134, %div3A_135 : vector<8x1280xf32>
    %mul3A_172 = arith.mulf %div3A_132, %div3A_133 : vector<8x1280xf32>
    %sub3A_173 = arith.subf %mul3A_171, %mul3A_172 : vector<8x1280xf32>
    %mul3A_174 = arith.constant 2.000000e+00 : f32
    %mul3A_175 = vector.broadcast %mul3A_174 : f32 to vector<8x1280xf32>
    %mul3A_176 = arith.mulf %mul3A_175, %sub3A_173 : vector<8x1280xf32>
    %mul3A_177 = arith.mulf %div3A_133, %div3A_135 : vector<8x1280xf32>
    %mul3A_178 = arith.mulf %div3A_132, %div3A_134 : vector<8x1280xf32>
    %sub3A_179 = arith.subf %mul3A_177, %mul3A_178 : vector<8x1280xf32>
    %mul3A_180 = arith.constant 2.000000e+00 : f32
    %mul3A_181 = vector.broadcast %mul3A_180 : f32 to vector<8x1280xf32>
    %mul3A_182 = arith.mulf %mul3A_181, %sub3A_179 : vector<8x1280xf32>
    %mul3A_183 = arith.mulf %div3A_134, %div3A_135 : vector<8x1280xf32>
    %mul3A_184 = arith.mulf %div3A_132, %div3A_133 : vector<8x1280xf32>
    %add3A_185 = arith.addf %mul3A_183, %mul3A_184 : vector<8x1280xf32>
    %mul3A_186 = arith.constant 2.000000e+00 : f32
    %mul3A_187 = vector.broadcast %mul3A_186 : f32 to vector<8x1280xf32>
    %mul3A_188 = arith.mulf %mul3A_187, %add3A_185 : vector<8x1280xf32>
    %mul3A_189 = arith.mulf %div3A_133, %div3A_133 : vector<8x1280xf32>
    %mul3A_190 = arith.mulf %div3A_134, %div3A_134 : vector<8x1280xf32>
    %add3A_191 = arith.addf %mul3A_189, %mul3A_190 : vector<8x1280xf32>
    %mul3A_192 = arith.constant 2.000000e+00 : f32
    %mul3A_193 = vector.broadcast %mul3A_192 : f32 to vector<8x1280xf32>
    %mul3A_194 = arith.mulf %mul3A_193, %add3A_191 : vector<8x1280xf32>
    %sub3A_195 = arith.constant 1.000000e+00 : f32
    %sub3A_196 = vector.broadcast %sub3A_195 : f32 to vector<8x1280xf32>
    %sub3A_197 = arith.subf %sub3A_196, %mul3A_194 : vector<8x1280xf32>
    %get3A_198 = arith.constant 52 : index
    %get3A_199 = arith.constant 0 : index
    %get3A_200 = arith.constant 0 : index
    %get3A_201 = vector.load %arg1[%get3A_198, %get3A_199, %get3A_200] : memref<64x8x1280xf32, #tpu.memory_space<vmem>>, vector<1x8x1280xf32>
    %get3A_202 = vector.shape_cast %get3A_201 : vector<1x8x1280xf32> to vector<8x1280xf32>
    %exp3A = math.exp %get3A_202 : vector<8x1280xf32>
    %get3A_203 = arith.constant 53 : index
    %get3A_204 = arith.constant 0 : index
    %get3A_205 = arith.constant 0 : index
    %get3A_206 = vector.load %arg1[%get3A_203, %get3A_204, %get3A_205] : memref<64x8x1280xf32, #tpu.memory_space<vmem>>, vector<1x8x1280xf32>
    %get3A_207 = vector.shape_cast %get3A_206 : vector<1x8x1280xf32> to vector<8x1280xf32>
    %exp3A_208 = math.exp %get3A_207 : vector<8x1280xf32>
    %get3A_209 = arith.constant 54 : index
    %get3A_210 = arith.constant 0 : index
    %get3A_211 = arith.constant 0 : index
    %get3A_212 = vector.load %arg1[%get3A_209, %get3A_210, %get3A_211] : memref<64x8x1280xf32, #tpu.memory_space<vmem>>, vector<1x8x1280xf32>
    %get3A_213 = vector.shape_cast %get3A_212 : vector<1x8x1280xf32> to vector<8x1280xf32>
    %exp3A_214 = math.exp %get3A_213 : vector<8x1280xf32>
    %mul3A_215 = arith.mulf %sub3A_143, %exp3A : vector<8x1280xf32>
    %convert_element_type3A_216 = arith.truncf %mul3A_215 : vector<8x1280xf32> to vector<8x1280xbf16>
    %convert_element_type3A_217 = arith.extf %convert_element_type3A_216 : vector<8x1280xbf16> to vector<8x1280xf32>
    %mul3A_218 = arith.mulf %mul3A_149, %exp3A_208 : vector<8x1280xf32>
    %convert_element_type3A_219 = arith.truncf %mul3A_218 : vector<8x1280xf32> to vector<8x1280xbf16>
    %convert_element_type3A_220 = arith.extf %convert_element_type3A_219 : vector<8x1280xbf16> to vector<8x1280xf32>
    %mul3A_221 = arith.mulf %mul3A_155, %exp3A_214 : vector<8x1280xf32>
    %convert_element_type3A_222 = arith.truncf %mul3A_221 : vector<8x1280xf32> to vector<8x1280xbf16>
    %convert_element_type3A_223 = arith.extf %convert_element_type3A_222 : vector<8x1280xbf16> to vector<8x1280xf32>
    %mul3A_224 = arith.mulf %mul3A_161, %exp3A : vector<8x1280xf32>
    %convert_element_type3A_225 = arith.truncf %mul3A_224 : vector<8x1280xf32> to vector<8x1280xbf16>
    %convert_element_type3A_226 = arith.extf %convert_element_type3A_225 : vector<8x1280xbf16> to vector<8x1280xf32>
    %mul3A_227 = arith.mulf %sub3A_170, %exp3A_208 : vector<8x1280xf32>
    %convert_element_type3A_228 = arith.truncf %mul3A_227 : vector<8x1280xf32> to vector<8x1280xbf16>
    %convert_element_type3A_229 = arith.extf %convert_element_type3A_228 : vector<8x1280xbf16> to vector<8x1280xf32>
    %mul3A_230 = arith.mulf %mul3A_176, %exp3A_214 : vector<8x1280xf32>
    %convert_element_type3A_231 = arith.truncf %mul3A_230 : vector<8x1280xf32> to vector<8x1280xbf16>
    %convert_element_type3A_232 = arith.extf %convert_element_type3A_231 : vector<8x1280xbf16> to vector<8x1280xf32>
    %mul3A_233 = arith.mulf %mul3A_182, %exp3A : vector<8x1280xf32>
    %convert_element_type3A_234 = arith.truncf %mul3A_233 : vector<8x1280xf32> to vector<8x1280xbf16>
    %convert_element_type3A_235 = arith.extf %convert_element_type3A_234 : vector<8x1280xbf16> to vector<8x1280xf32>
    %mul3A_236 = arith.mulf %mul3A_188, %exp3A_208 : vector<8x1280xf32>
    %convert_element_type3A_237 = arith.truncf %mul3A_236 : vector<8x1280xf32> to vector<8x1280xbf16>
    %convert_element_type3A_238 = arith.extf %convert_element_type3A_237 : vector<8x1280xbf16> to vector<8x1280xf32>
    %mul3A_239 = arith.mulf %sub3A_197, %exp3A_214 : vector<8x1280xf32>
    %convert_element_type3A_240 = arith.truncf %mul3A_239 : vector<8x1280xf32> to vector<8x1280xbf16>
    %convert_element_type3A_241 = arith.extf %convert_element_type3A_240 : vector<8x1280xbf16> to vector<8x1280xf32>
    %mul3A_242 = arith.mulf %convert_element_type3A_217, %convert_element_type3A_217 : vector<8x1280xf32>
    %mul3A_243 = arith.mulf %convert_element_type3A_220, %convert_element_type3A_220 : vector<8x1280xf32>
    %add3A_244 = arith.addf %mul3A_242, %mul3A_243 : vector<8x1280xf32>
    %mul3A_245 = arith.mulf %convert_element_type3A_223, %convert_element_type3A_223 : vector<8x1280xf32>
    %add3A_246 = arith.addf %add3A_244, %mul3A_245 : vector<8x1280xf32>
    %convert_element_type3A_247 = arith.truncf %add3A_246 : vector<8x1280xf32> to vector<8x1280xbf16>
    %convert_element_type3A_248 = arith.extf %convert_element_type3A_247 : vector<8x1280xbf16> to vector<8x1280xf32>
    %mul3A_249 = arith.mulf %convert_element_type3A_217, %convert_element_type3A_226 : vector<8x1280xf32>
    %mul3A_250 = arith.mulf %convert_element_type3A_220, %convert_element_type3A_229 : vector<8x1280xf32>
    %add3A_251 = arith.addf %mul3A_249, %mul3A_250 : vector<8x1280xf32>
    %mul3A_252 = arith.mulf %convert_element_type3A_223, %convert_element_type3A_232 : vector<8x1280xf32>
    %add3A_253 = arith.addf %add3A_251, %mul3A_252 : vector<8x1280xf32>
    %convert_element_type3A_254 = arith.truncf %add3A_253 : vector<8x1280xf32> to vector<8x1280xbf16>
    %convert_element_type3A_255 = arith.extf %convert_element_type3A_254 : vector<8x1280xbf16> to vector<8x1280xf32>
    %mul3A_256 = arith.mulf %convert_element_type3A_217, %convert_element_type3A_235 : vector<8x1280xf32>
    %mul3A_257 = arith.mulf %convert_element_type3A_220, %convert_element_type3A_238 : vector<8x1280xf32>
    %add3A_258 = arith.addf %mul3A_256, %mul3A_257 : vector<8x1280xf32>
    %mul3A_259 = arith.mulf %convert_element_type3A_223, %convert_element_type3A_241 : vector<8x1280xf32>
    %add3A_260 = arith.addf %add3A_258, %mul3A_259 : vector<8x1280xf32>
    %convert_element_type3A_261 = arith.truncf %add3A_260 : vector<8x1280xf32> to vector<8x1280xbf16>
    %convert_element_type3A_262 = arith.extf %convert_element_type3A_261 : vector<8x1280xbf16> to vector<8x1280xf32>
    %mul3A_263 = arith.mulf %convert_element_type3A_226, %convert_element_type3A_226 : vector<8x1280xf32>
    %mul3A_264 = arith.mulf %convert_element_type3A_229, %convert_element_type3A_229 : vector<8x1280xf32>
    %add3A_265 = arith.addf %mul3A_263, %mul3A_264 : vector<8x1280xf32>
    %mul3A_266 = arith.mulf %convert_element_type3A_232, %convert_element_type3A_232 : vector<8x1280xf32>
    %add3A_267 = arith.addf %add3A_265, %mul3A_266 : vector<8x1280xf32>
    %convert_element_type3A_268 = arith.truncf %add3A_267 : vector<8x1280xf32> to vector<8x1280xbf16>
    %convert_element_type3A_269 = arith.extf %convert_element_type3A_268 : vector<8x1280xbf16> to vector<8x1280xf32>
    %mul3A_270 = arith.mulf %convert_element_type3A_226, %convert_element_type3A_235 : vector<8x1280xf32>
    %mul3A_271 = arith.mulf %convert_element_type3A_229, %convert_element_type3A_238 : vector<8x1280xf32>
    %add3A_272 = arith.addf %mul3A_270, %mul3A_271 : vector<8x1280xf32>
    %mul3A_273 = arith.mulf %convert_element_type3A_232, %convert_element_type3A_241 : vector<8x1280xf32>
    %add3A_274 = arith.addf %add3A_272, %mul3A_273 : vector<8x1280xf32>
    %convert_element_type3A_275 = arith.truncf %add3A_274 : vector<8x1280xf32> to vector<8x1280xbf16>
    %convert_element_type3A_276 = arith.extf %convert_element_type3A_275 : vector<8x1280xbf16> to vector<8x1280xf32>
    %mul3A_277 = arith.mulf %convert_element_type3A_235, %convert_element_type3A_235 : vector<8x1280xf32>
    %mul3A_278 = arith.mulf %convert_element_type3A_238, %convert_element_type3A_238 : vector<8x1280xf32>
    %add3A_279 = arith.addf %mul3A_277, %mul3A_278 : vector<8x1280xf32>
    %mul3A_280 = arith.mulf %convert_element_type3A_241, %convert_element_type3A_241 : vector<8x1280xf32>
    %add3A_281 = arith.addf %add3A_279, %mul3A_280 : vector<8x1280xf32>
    %convert_element_type3A_282 = arith.truncf %add3A_281 : vector<8x1280xf32> to vector<8x1280xbf16>
    %convert_element_type3A_283 = arith.extf %convert_element_type3A_282 : vector<8x1280xbf16> to vector<8x1280xf32>
    %div3A_284 = arith.constant 3.000000e+01 : f32
    %div3A_285 = vector.broadcast %div3A_284 : f32 to vector<8x1280xf32>
    %div3A_286 = arith.divf %div3A_285, %add3A_88 : vector<8x1280xf32>
    %convert_element_type3A_287 = arith.truncf %div3A_286 : vector<8x1280xf32> to vector<8x1280xbf16>
    %convert_element_type3A_288 = arith.extf %convert_element_type3A_287 : vector<8x1280xbf16> to vector<8x1280xf32>
    %mul3A_289 = arith.constant -3.000000e+01 : f32
    %mul3A_290 = vector.broadcast %mul3A_289 : f32 to vector<8x1280xf32>
    %mul3A_291 = arith.mulf %mul3A_290, %add3A_68 : vector<8x1280xf32>
    %mul3A_292 = arith.mulf %add3A_88, %add3A_88 : vector<8x1280xf32>
    %div3A_293 = arith.divf %mul3A_291, %mul3A_292 : vector<8x1280xf32>
    %convert_element_type3A_294 = arith.truncf %div3A_293 : vector<8x1280xf32> to vector<8x1280xbf16>
    %convert_element_type3A_295 = arith.extf %convert_element_type3A_294 : vector<8x1280xbf16> to vector<8x1280xf32>
    %div3A_296 = arith.constant 3.000000e+01 : f32
    %div3A_297 = vector.broadcast %div3A_296 : f32 to vector<8x1280xf32>
    %div3A_298 = arith.divf %div3A_297, %add3A_88 : vector<8x1280xf32>
    %convert_element_type3A_299 = arith.truncf %div3A_298 : vector<8x1280xf32> to vector<8x1280xbf16>
    %convert_element_type3A_300 = arith.extf %convert_element_type3A_299 : vector<8x1280xbf16> to vector<8x1280xf32>
    %mul3A_301 = arith.constant -3.000000e+01 : f32
    %mul3A_302 = vector.broadcast %mul3A_301 : f32 to vector<8x1280xf32>
    %mul3A_303 = arith.mulf %mul3A_302, %add3A_78 : vector<8x1280xf32>
    %mul3A_304 = arith.mulf %add3A_88, %add3A_88 : vector<8x1280xf32>
    %div3A_305 = arith.divf %mul3A_303, %mul3A_304 : vector<8x1280xf32>
    %convert_element_type3A_306 = arith.truncf %div3A_305 : vector<8x1280xf32> to vector<8x1280xbf16>
    %convert_element_type3A_307 = arith.extf %convert_element_type3A_306 : vector<8x1280xbf16> to vector<8x1280xf32>
    %mul3A_308 = vector.broadcast %get3A_24 : f32 to vector<8x1280xf32>
    %mul3A_309 = arith.mulf %convert_element_type3A_288, %mul3A_308 : vector<8x1280xf32>
    %mul3A_310 = vector.broadcast %get3A_36 : f32 to vector<8x1280xf32>
    %mul3A_311 = arith.mulf %convert_element_type3A_295, %mul3A_310 : vector<8x1280xf32>
    %add3A_312 = arith.addf %mul3A_309, %mul3A_311 : vector<8x1280xf32>
    %convert_element_type3A_313 = arith.truncf %add3A_312 : vector<8x1280xf32> to vector<8x1280xbf16>
    %convert_element_type3A_314 = arith.extf %convert_element_type3A_313 : vector<8x1280xbf16> to vector<8x1280xf32>
    %mul3A_315 = vector.broadcast %get3A_26 : f32 to vector<8x1280xf32>
    %mul3A_316 = arith.mulf %convert_element_type3A_288, %mul3A_315 : vector<8x1280xf32>
    %mul3A_317 = vector.broadcast %get3A_38 : f32 to vector<8x1280xf32>
    %mul3A_318 = arith.mulf %convert_element_type3A_295, %mul3A_317 : vector<8x1280xf32>
    %add3A_319 = arith.addf %mul3A_316, %mul3A_318 : vector<8x1280xf32>
    %convert_element_type3A_320 = arith.truncf %add3A_319 : vector<8x1280xf32> to vector<8x1280xbf16>
    %convert_element_type3A_321 = arith.extf %convert_element_type3A_320 : vector<8x1280xbf16> to vector<8x1280xf32>
    %mul3A_322 = vector.broadcast %get3A_28 : f32 to vector<8x1280xf32>
    %mul3A_323 = arith.mulf %convert_element_type3A_288, %mul3A_322 : vector<8x1280xf32>
    %mul3A_324 = vector.broadcast %get3A_40 : f32 to vector<8x1280xf32>
    %mul3A_325 = arith.mulf %convert_element_type3A_295, %mul3A_324 : vector<8x1280xf32>
    %add3A_326 = arith.addf %mul3A_323, %mul3A_325 : vector<8x1280xf32>
    %convert_element_type3A_327 = arith.truncf %add3A_326 : vector<8x1280xf32> to vector<8x1280xbf16>
    %convert_element_type3A_328 = arith.extf %convert_element_type3A_327 : vector<8x1280xbf16> to vector<8x1280xf32>
    %mul3A_329 = vector.broadcast %get3A_30 : f32 to vector<8x1280xf32>
    %mul3A_330 = arith.mulf %convert_element_type3A_300, %mul3A_329 : vector<8x1280xf32>
    %mul3A_331 = vector.broadcast %get3A_36 : f32 to vector<8x1280xf32>
    %mul3A_332 = arith.mulf %convert_element_type3A_307, %mul3A_331 : vector<8x1280xf32>
    %add3A_333 = arith.addf %mul3A_330, %mul3A_332 : vector<8x1280xf32>
    %convert_element_type3A_334 = arith.truncf %add3A_333 : vector<8x1280xf32> to vector<8x1280xbf16>
    %convert_element_type3A_335 = arith.extf %convert_element_type3A_334 : vector<8x1280xbf16> to vector<8x1280xf32>
    %mul3A_336 = vector.broadcast %get3A_32 : f32 to vector<8x1280xf32>
    %mul3A_337 = arith.mulf %convert_element_type3A_300, %mul3A_336 : vector<8x1280xf32>
    %mul3A_338 = vector.broadcast %get3A_38 : f32 to vector<8x1280xf32>
    %mul3A_339 = arith.mulf %convert_element_type3A_307, %mul3A_338 : vector<8x1280xf32>
    %add3A_340 = arith.addf %mul3A_337, %mul3A_339 : vector<8x1280xf32>
    %convert_element_type3A_341 = arith.truncf %add3A_340 : vector<8x1280xf32> to vector<8x1280xbf16>
    %convert_element_type3A_342 = arith.extf %convert_element_type3A_341 : vector<8x1280xbf16> to vector<8x1280xf32>
    %mul3A_343 = vector.broadcast %get3A_34 : f32 to vector<8x1280xf32>
    %mul3A_344 = arith.mulf %convert_element_type3A_300, %mul3A_343 : vector<8x1280xf32>
    %mul3A_345 = vector.broadcast %get3A_40 : f32 to vector<8x1280xf32>
    %mul3A_346 = arith.mulf %convert_element_type3A_307, %mul3A_345 : vector<8x1280xf32>
    %add3A_347 = arith.addf %mul3A_344, %mul3A_346 : vector<8x1280xf32>
    %convert_element_type3A_348 = arith.truncf %add3A_347 : vector<8x1280xf32> to vector<8x1280xbf16>
    %convert_element_type3A_349 = arith.extf %convert_element_type3A_348 : vector<8x1280xbf16> to vector<8x1280xf32>
    %mul3A_350 = arith.mulf %convert_element_type3A_314, %convert_element_type3A_248 : vector<8x1280xf32>
    %mul3A_351 = arith.mulf %convert_element_type3A_321, %convert_element_type3A_255 : vector<8x1280xf32>
    %add3A_352 = arith.addf %mul3A_350, %mul3A_351 : vector<8x1280xf32>
    %mul3A_353 = arith.mulf %convert_element_type3A_328, %convert_element_type3A_262 : vector<8x1280xf32>
    %add3A_354 = arith.addf %add3A_352, %mul3A_353 : vector<8x1280xf32>
    %convert_element_type3A_355 = arith.truncf %add3A_354 : vector<8x1280xf32> to vector<8x1280xbf16>
    %convert_element_type3A_356 = arith.extf %convert_element_type3A_355 : vector<8x1280xbf16> to vector<8x1280xf32>
    %mul3A_357 = arith.mulf %convert_element_type3A_314, %convert_element_type3A_255 : vector<8x1280xf32>
    %mul3A_358 = arith.mulf %convert_element_type3A_321, %convert_element_type3A_269 : vector<8x1280xf32>
    %add3A_359 = arith.addf %mul3A_357, %mul3A_358 : vector<8x1280xf32>
    %mul3A_360 = arith.mulf %convert_element_type3A_328, %convert_element_type3A_276 : vector<8x1280xf32>
    %add3A_361 = arith.addf %add3A_359, %mul3A_360 : vector<8x1280xf32>
    %convert_element_type3A_362 = arith.truncf %add3A_361 : vector<8x1280xf32> to vector<8x1280xbf16>
    %convert_element_type3A_363 = arith.extf %convert_element_type3A_362 : vector<8x1280xbf16> to vector<8x1280xf32>
    %mul3A_364 = arith.mulf %convert_element_type3A_314, %convert_element_type3A_262 : vector<8x1280xf32>
    %mul3A_365 = arith.mulf %convert_element_type3A_321, %convert_element_type3A_276 : vector<8x1280xf32>
    %add3A_366 = arith.addf %mul3A_364, %mul3A_365 : vector<8x1280xf32>
    %mul3A_367 = arith.mulf %convert_element_type3A_328, %convert_element_type3A_283 : vector<8x1280xf32>
    %add3A_368 = arith.addf %add3A_366, %mul3A_367 : vector<8x1280xf32>
    %convert_element_type3A_369 = arith.truncf %add3A_368 : vector<8x1280xf32> to vector<8x1280xbf16>
    %convert_element_type3A_370 = arith.extf %convert_element_type3A_369 : vector<8x1280xbf16> to vector<8x1280xf32>
    %mul3A_371 = arith.mulf %convert_element_type3A_335, %convert_element_type3A_248 : vector<8x1280xf32>
    %mul3A_372 = arith.mulf %convert_element_type3A_342, %convert_element_type3A_255 : vector<8x1280xf32>
    %add3A_373 = arith.addf %mul3A_371, %mul3A_372 : vector<8x1280xf32>
    %mul3A_374 = arith.mulf %convert_element_type3A_349, %convert_element_type3A_262 : vector<8x1280xf32>
    %add3A_375 = arith.addf %add3A_373, %mul3A_374 : vector<8x1280xf32>
    %convert_element_type3A_376 = arith.truncf %add3A_375 : vector<8x1280xf32> to vector<8x1280xbf16>
    %convert_element_type3A_377 = arith.extf %convert_element_type3A_376 : vector<8x1280xbf16> to vector<8x1280xf32>
    %mul3A_378 = arith.mulf %convert_element_type3A_335, %convert_element_type3A_255 : vector<8x1280xf32>
    %mul3A_379 = arith.mulf %convert_element_type3A_342, %convert_element_type3A_269 : vector<8x1280xf32>
    %add3A_380 = arith.addf %mul3A_378, %mul3A_379 : vector<8x1280xf32>
    %mul3A_381 = arith.mulf %convert_element_type3A_349, %convert_element_type3A_276 : vector<8x1280xf32>
    %add3A_382 = arith.addf %add3A_380, %mul3A_381 : vector<8x1280xf32>
    %convert_element_type3A_383 = arith.truncf %add3A_382 : vector<8x1280xf32> to vector<8x1280xbf16>
    %convert_element_type3A_384 = arith.extf %convert_element_type3A_383 : vector<8x1280xbf16> to vector<8x1280xf32>
    %mul3A_385 = arith.mulf %convert_element_type3A_335, %convert_element_type3A_262 : vector<8x1280xf32>
    %mul3A_386 = arith.mulf %convert_element_type3A_342, %convert_element_type3A_276 : vector<8x1280xf32>
    %add3A_387 = arith.addf %mul3A_385, %mul3A_386 : vector<8x1280xf32>
    %mul3A_388 = arith.mulf %convert_element_type3A_349, %convert_element_type3A_283 : vector<8x1280xf32>
    %add3A_389 = arith.addf %add3A_387, %mul3A_388 : vector<8x1280xf32>
    %convert_element_type3A_390 = arith.truncf %add3A_389 : vector<8x1280xf32> to vector<8x1280xbf16>
    %convert_element_type3A_391 = arith.extf %convert_element_type3A_390 : vector<8x1280xbf16> to vector<8x1280xf32>
    %mul3A_392 = arith.mulf %convert_element_type3A_356, %convert_element_type3A_314 : vector<8x1280xf32>
    %mul3A_393 = arith.mulf %convert_element_type3A_363, %convert_element_type3A_321 : vector<8x1280xf32>
    %add3A_394 = arith.addf %mul3A_392, %mul3A_393 : vector<8x1280xf32>
    %mul3A_395 = arith.mulf %convert_element_type3A_370, %convert_element_type3A_328 : vector<8x1280xf32>
    %add3A_396 = arith.addf %add3A_394, %mul3A_395 : vector<8x1280xf32>
    %add3A_397 = arith.constant 3.000000e-01 : f32
    %add3A_398 = vector.broadcast %add3A_397 : f32 to vector<8x1280xf32>
    %add3A_399 = arith.addf %add3A_396, %add3A_398 : vector<8x1280xf32>
    %mul3A_400 = arith.mulf %convert_element_type3A_356, %convert_element_type3A_335 : vector<8x1280xf32>
    %mul3A_401 = arith.mulf %convert_element_type3A_363, %convert_element_type3A_342 : vector<8x1280xf32>
    %add3A_402 = arith.addf %mul3A_400, %mul3A_401 : vector<8x1280xf32>
    %mul3A_403 = arith.mulf %convert_element_type3A_370, %convert_element_type3A_349 : vector<8x1280xf32>
    %add3A_404 = arith.addf %add3A_402, %mul3A_403 : vector<8x1280xf32>
    %mul3A_405 = arith.mulf %convert_element_type3A_377, %convert_element_type3A_335 : vector<8x1280xf32>
    %mul3A_406 = arith.mulf %convert_element_type3A_384, %convert_element_type3A_342 : vector<8x1280xf32>
    %add3A_407 = arith.addf %mul3A_405, %mul3A_406 : vector<8x1280xf32>
    %mul3A_408 = arith.mulf %convert_element_type3A_391, %convert_element_type3A_349 : vector<8x1280xf32>
    %add3A_409 = arith.addf %add3A_407, %mul3A_408 : vector<8x1280xf32>
    %add3A_410 = arith.constant 3.000000e-01 : f32
    %add3A_411 = vector.broadcast %add3A_410 : f32 to vector<8x1280xf32>
    %add3A_412 = arith.addf %add3A_409, %add3A_411 : vector<8x1280xf32>
    %mul3A_413 = arith.mulf %add3A_399, %add3A_412 : vector<8x1280xf32>
    %mul3A_414 = arith.mulf %add3A_404, %add3A_404 : vector<8x1280xf32>
    %sub3A_415 = arith.subf %mul3A_413, %mul3A_414 : vector<8x1280xf32>
    %div3A_416 = arith.divf %add3A_412, %sub3A_415 : vector<8x1280xf32>
    %mul3A_417 = arith.constant -0.72134751 : f32
    %mul3A_418 = vector.broadcast %mul3A_417 : f32 to vector<8x1280xf32>
    %mul3A_419 = arith.mulf %mul3A_418, %div3A_416 : vector<8x1280xf32>
    %neg3A = arith.constant 0.000000e+00 : f32
    %neg3A_420 = vector.broadcast %neg3A : f32 to vector<8x1280xf32>
    %neg3A_421 = arith.subf %neg3A_420, %add3A_404 : vector<8x1280xf32>
    %div3A_422 = arith.divf %neg3A_421, %sub3A_415 : vector<8x1280xf32>
    %mul3A_423 = arith.constant -1.44269502 : f32
    %mul3A_424 = vector.broadcast %mul3A_423 : f32 to vector<8x1280xf32>
    %mul3A_425 = arith.mulf %mul3A_424, %div3A_422 : vector<8x1280xf32>
    %div3A_426 = arith.divf %add3A_399, %sub3A_415 : vector<8x1280xf32>
    %mul3A_427 = arith.constant -0.72134751 : f32
    %mul3A_428 = vector.broadcast %mul3A_427 : f32 to vector<8x1280xf32>
    %mul3A_429 = arith.mulf %mul3A_428, %div3A_426 : vector<8x1280xf32>
    %sqrt3A_430 = math.sqrt %add3A_399 : vector<8x1280xf32>
    %mul3A_431 = arith.constant 3.000000e+00 : f32
    %mul3A_432 = vector.broadcast %mul3A_431 : f32 to vector<8x1280xf32>
    %mul3A_433 = arith.mulf %mul3A_432, %sqrt3A_430 : vector<8x1280xf32>
    %ceil3A = math.ceil %mul3A_433 : vector<8x1280xf32>
    %sqrt3A_434 = math.sqrt %add3A_412 : vector<8x1280xf32>
    %mul3A_435 = arith.constant 3.000000e+00 : f32
    %mul3A_436 = vector.broadcast %mul3A_435 : f32 to vector<8x1280xf32>
    %mul3A_437 = arith.mulf %mul3A_436, %sqrt3A_434 : vector<8x1280xf32>
    %ceil3A_438 = math.ceil %mul3A_437 : vector<8x1280xf32>
    %mul3A_439 = arith.mulf %get3A_0, %get3A_18 : f32
    %mul3A_440 = arith.mulf %get3A_6, %get3A_20 : f32
    %add3A_441 = arith.addf %mul3A_439, %mul3A_440 : f32
    %mul3A_442 = arith.mulf %get3A_12, %get3A_22 : f32
    %add3A_443 = arith.addf %add3A_441, %mul3A_442 : f32
    %neg3A_444 = arith.constant 0.000000e+00 : f32
    %neg3A_445 = arith.subf %neg3A_444, %add3A_443 : f32
    %mul3A_446 = arith.mulf %get3A_2, %get3A_18 : f32
    %mul3A_447 = arith.mulf %get3A_8, %get3A_20 : f32
    %add3A_448 = arith.addf %mul3A_446, %mul3A_447 : f32
    %mul3A_449 = arith.mulf %get3A_14, %get3A_22 : f32
    %add3A_450 = arith.addf %add3A_448, %mul3A_449 : f32
    %neg3A_451 = arith.constant 0.000000e+00 : f32
    %neg3A_452 = arith.subf %neg3A_451, %add3A_450 : f32
    %mul3A_453 = arith.mulf %get3A_4, %get3A_18 : f32
    %mul3A_454 = arith.mulf %get3A_10, %get3A_20 : f32
    %add3A_455 = arith.addf %mul3A_453, %mul3A_454 : f32
    %mul3A_456 = arith.mulf %get3A_16, %get3A_22 : f32
    %add3A_457 = arith.addf %add3A_455, %mul3A_456 : f32
    %neg3A_458 = arith.constant 0.000000e+00 : f32
    %neg3A_459 = arith.subf %neg3A_458, %add3A_457 : f32
    %sub3A_460 = vector.broadcast %neg3A_445 : f32 to vector<8x1280xf32>
    %sub3A_461 = arith.subf %get3A_45, %sub3A_460 : vector<8x1280xf32>
    %sub3A_462 = vector.broadcast %neg3A_452 : f32 to vector<8x1280xf32>
    %sub3A_463 = arith.subf %get3A_50, %sub3A_462 : vector<8x1280xf32>
    %sub3A_464 = vector.broadcast %neg3A_459 : f32 to vector<8x1280xf32>
    %sub3A_465 = arith.subf %get3A_55, %sub3A_464 : vector<8x1280xf32>
    %mul3A_466 = arith.mulf %sub3A_461, %sub3A_461 : vector<8x1280xf32>
    %mul3A_467 = arith.mulf %sub3A_463, %sub3A_463 : vector<8x1280xf32>
    %add3A_468 = arith.addf %mul3A_466, %mul3A_467 : vector<8x1280xf32>
    %mul3A_469 = arith.mulf %sub3A_465, %sub3A_465 : vector<8x1280xf32>
    %add3A_470 = arith.addf %add3A_468, %mul3A_469 : vector<8x1280xf32>
    %sqrt3A_471 = math.sqrt %add3A_470 : vector<8x1280xf32>
    %add3A_472 = arith.constant 9.99999996E-13 : f32
    %add3A_473 = vector.broadcast %add3A_472 : f32 to vector<8x1280xf32>
    %add3A_474 = arith.addf %sqrt3A_471, %add3A_473 : vector<8x1280xf32>
    %div3A_475 = arith.divf %sub3A_461, %add3A_474 : vector<8x1280xf32>
    %div3A_476 = arith.divf %sub3A_463, %add3A_474 : vector<8x1280xf32>
    %div3A_477 = arith.divf %sub3A_465, %add3A_474 : vector<8x1280xf32>
    %mul3A_478 = arith.mulf %div3A_475, %div3A_475 : vector<8x1280xf32>
    %mul3A_479 = arith.mulf %div3A_476, %div3A_476 : vector<8x1280xf32>
    %mul3A_480 = arith.mulf %div3A_477, %div3A_477 : vector<8x1280xf32>
    %mul3A_481 = arith.mulf %div3A_475, %div3A_476 : vector<8x1280xf32>
    %mul3A_482 = arith.mulf %div3A_476, %div3A_477 : vector<8x1280xf32>
    %mul3A_483 = arith.mulf %div3A_475, %div3A_477 : vector<8x1280xf32>
    %mul3A_484 = arith.constant -0.488602519 : f32
    %mul3A_485 = vector.broadcast %mul3A_484 : f32 to vector<8x1280xf32>
    %mul3A_486 = arith.mulf %mul3A_485, %div3A_476 : vector<8x1280xf32>
    %mul3A_487 = arith.constant 0.488602519 : f32
    %mul3A_488 = vector.broadcast %mul3A_487 : f32 to vector<8x1280xf32>
    %mul3A_489 = arith.mulf %mul3A_488, %div3A_477 : vector<8x1280xf32>
    %mul3A_490 = arith.constant -0.488602519 : f32
    %mul3A_491 = vector.broadcast %mul3A_490 : f32 to vector<8x1280xf32>
    %mul3A_492 = arith.mulf %mul3A_491, %div3A_475 : vector<8x1280xf32>
    %mul3A_493 = arith.constant 1.09254849 : f32
    %mul3A_494 = vector.broadcast %mul3A_493 : f32 to vector<8x1280xf32>
    %mul3A_495 = arith.mulf %mul3A_494, %mul3A_481 : vector<8x1280xf32>
    %mul3A_496 = arith.constant -1.09254849 : f32
    %mul3A_497 = vector.broadcast %mul3A_496 : f32 to vector<8x1280xf32>
    %mul3A_498 = arith.mulf %mul3A_497, %mul3A_482 : vector<8x1280xf32>
    %mul3A_499 = arith.constant 2.000000e+00 : f32
    %mul3A_500 = vector.broadcast %mul3A_499 : f32 to vector<8x1280xf32>
    %mul3A_501 = arith.mulf %mul3A_500, %mul3A_480 : vector<8x1280xf32>
    %sub3A_502 = arith.subf %mul3A_501, %mul3A_478 : vector<8x1280xf32>
    %sub3A_503 = arith.subf %sub3A_502, %mul3A_479 : vector<8x1280xf32>
    %mul3A_504 = arith.constant 0.31539157 : f32
    %mul3A_505 = vector.broadcast %mul3A_504 : f32 to vector<8x1280xf32>
    %mul3A_506 = arith.mulf %mul3A_505, %sub3A_503 : vector<8x1280xf32>
    %mul3A_507 = arith.constant -1.09254849 : f32
    %mul3A_508 = vector.broadcast %mul3A_507 : f32 to vector<8x1280xf32>
    %mul3A_509 = arith.mulf %mul3A_508, %mul3A_483 : vector<8x1280xf32>
    %sub3A_510 = arith.subf %mul3A_478, %mul3A_479 : vector<8x1280xf32>
    %mul3A_511 = arith.constant 0.546274245 : f32
    %mul3A_512 = vector.broadcast %mul3A_511 : f32 to vector<8x1280xf32>
    %mul3A_513 = arith.mulf %mul3A_512, %sub3A_510 : vector<8x1280xf32>
    %mul3A_514 = arith.constant -0.590043604 : f32
    %mul3A_515 = vector.broadcast %mul3A_514 : f32 to vector<8x1280xf32>
    %mul3A_516 = arith.mulf %mul3A_515, %div3A_476 : vector<8x1280xf32>
    %mul3A_517 = arith.constant 3.000000e+00 : f32
    %mul3A_518 = vector.broadcast %mul3A_517 : f32 to vector<8x1280xf32>
    %mul3A_519 = arith.mulf %mul3A_518, %mul3A_478 : vector<8x1280xf32>
    %sub3A_520 = arith.subf %mul3A_519, %mul3A_479 : vector<8x1280xf32>
    %mul3A_521 = arith.mulf %mul3A_516, %sub3A_520 : vector<8x1280xf32>
    %mul3A_522 = arith.constant 2.89061141 : f32
    %mul3A_523 = vector.broadcast %mul3A_522 : f32 to vector<8x1280xf32>
    %mul3A_524 = arith.mulf %mul3A_523, %mul3A_481 : vector<8x1280xf32>
    %mul3A_525 = arith.mulf %mul3A_524, %div3A_477 : vector<8x1280xf32>
    %mul3A_526 = arith.constant -0.457045794 : f32
    %mul3A_527 = vector.broadcast %mul3A_526 : f32 to vector<8x1280xf32>
    %mul3A_528 = arith.mulf %mul3A_527, %div3A_476 : vector<8x1280xf32>
    %mul3A_529 = arith.constant 4.000000e+00 : f32
    %mul3A_530 = vector.broadcast %mul3A_529 : f32 to vector<8x1280xf32>
    %mul3A_531 = arith.mulf %mul3A_530, %mul3A_480 : vector<8x1280xf32>
    %sub3A_532 = arith.subf %mul3A_531, %mul3A_478 : vector<8x1280xf32>
    %sub3A_533 = arith.subf %sub3A_532, %mul3A_479 : vector<8x1280xf32>
    %mul3A_534 = arith.mulf %mul3A_528, %sub3A_533 : vector<8x1280xf32>
    %mul3A_535 = arith.constant 0.373176336 : f32
    %mul3A_536 = vector.broadcast %mul3A_535 : f32 to vector<8x1280xf32>
    %mul3A_537 = arith.mulf %mul3A_536, %div3A_477 : vector<8x1280xf32>
    %mul3A_538 = arith.constant 2.000000e+00 : f32
    %mul3A_539 = vector.broadcast %mul3A_538 : f32 to vector<8x1280xf32>
    %mul3A_540 = arith.mulf %mul3A_539, %mul3A_480 : vector<8x1280xf32>
    %mul3A_541 = arith.constant 3.000000e+00 : f32
    %mul3A_542 = vector.broadcast %mul3A_541 : f32 to vector<8x1280xf32>
    %mul3A_543 = arith.mulf %mul3A_542, %mul3A_478 : vector<8x1280xf32>
    %sub3A_544 = arith.subf %mul3A_540, %mul3A_543 : vector<8x1280xf32>
    %mul3A_545 = arith.constant 3.000000e+00 : f32
    %mul3A_546 = vector.broadcast %mul3A_545 : f32 to vector<8x1280xf32>
    %mul3A_547 = arith.mulf %mul3A_546, %mul3A_479 : vector<8x1280xf32>
    %sub3A_548 = arith.subf %sub3A_544, %mul3A_547 : vector<8x1280xf32>
    %mul3A_549 = arith.mulf %mul3A_537, %sub3A_548 : vector<8x1280xf32>
    %mul3A_550 = arith.constant -0.457045794 : f32
    %mul3A_551 = vector.broadcast %mul3A_550 : f32 to vector<8x1280xf32>
    %mul3A_552 = arith.mulf %mul3A_551, %div3A_475 : vector<8x1280xf32>
    %mul3A_553 = arith.constant 4.000000e+00 : f32
    %mul3A_554 = vector.broadcast %mul3A_553 : f32 to vector<8x1280xf32>
    %mul3A_555 = arith.mulf %mul3A_554, %mul3A_480 : vector<8x1280xf32>
    %sub3A_556 = arith.subf %mul3A_555, %mul3A_478 : vector<8x1280xf32>
    %sub3A_557 = arith.subf %sub3A_556, %mul3A_479 : vector<8x1280xf32>
    %mul3A_558 = arith.mulf %mul3A_552, %sub3A_557 : vector<8x1280xf32>
    %mul3A_559 = arith.constant 1.44530571 : f32
    %mul3A_560 = vector.broadcast %mul3A_559 : f32 to vector<8x1280xf32>
    %mul3A_561 = arith.mulf %mul3A_560, %div3A_477 : vector<8x1280xf32>
    %sub3A_562 = arith.subf %mul3A_478, %mul3A_479 : vector<8x1280xf32>
    %mul3A_563 = arith.mulf %mul3A_561, %sub3A_562 : vector<8x1280xf32>
    %mul3A_564 = arith.constant -0.590043604 : f32
    %mul3A_565 = vector.broadcast %mul3A_564 : f32 to vector<8x1280xf32>
    %mul3A_566 = arith.mulf %mul3A_565, %div3A_475 : vector<8x1280xf32>
    %mul3A_567 = arith.constant 3.000000e+00 : f32
    %mul3A_568 = vector.broadcast %mul3A_567 : f32 to vector<8x1280xf32>
    %mul3A_569 = arith.mulf %mul3A_568, %mul3A_479 : vector<8x1280xf32>
    %sub3A_570 = arith.subf %mul3A_478, %mul3A_569 : vector<8x1280xf32>
    %mul3A_571 = arith.mulf %mul3A_566, %sub3A_570 : vector<8x1280xf32>
    %get3A_572 = arith.constant 3 : index
    %get3A_573 = arith.constant 0 : index
    %get3A_574 = arith.constant 0 : index
    %get3A_575 = vector.load %arg1[%get3A_572, %get3A_573, %get3A_574] : memref<64x8x1280xf32, #tpu.memory_space<vmem>>, vector<1x8x1280xf32>
    %get3A_576 = vector.shape_cast %get3A_575 : vector<1x8x1280xf32> to vector<8x1280xf32>
    %mul3A_577 = arith.constant 0.282094806 : f32
    %mul3A_578 = vector.broadcast %mul3A_577 : f32 to vector<8x1280xf32>
    %mul3A_579 = arith.mulf %mul3A_578, %get3A_576 : vector<8x1280xf32>
    %get3A_580 = arith.constant 6 : index
    %get3A_581 = arith.constant 0 : index
    %get3A_582 = arith.constant 0 : index
    %get3A_583 = vector.load %arg1[%get3A_580, %get3A_581, %get3A_582] : memref<64x8x1280xf32, #tpu.memory_space<vmem>>, vector<1x8x1280xf32>
    %get3A_584 = vector.shape_cast %get3A_583 : vector<1x8x1280xf32> to vector<8x1280xf32>
    %mul3A_585 = arith.mulf %mul3A_486, %get3A_584 : vector<8x1280xf32>
    %add3A_586 = arith.addf %mul3A_579, %mul3A_585 : vector<8x1280xf32>
    %get3A_587 = arith.constant 9 : index
    %get3A_588 = arith.constant 0 : index
    %get3A_589 = arith.constant 0 : index
    %get3A_590 = vector.load %arg1[%get3A_587, %get3A_588, %get3A_589] : memref<64x8x1280xf32, #tpu.memory_space<vmem>>, vector<1x8x1280xf32>
    %get3A_591 = vector.shape_cast %get3A_590 : vector<1x8x1280xf32> to vector<8x1280xf32>
    %mul3A_592 = arith.mulf %mul3A_489, %get3A_591 : vector<8x1280xf32>
    %add3A_593 = arith.addf %add3A_586, %mul3A_592 : vector<8x1280xf32>
    %get3A_594 = arith.constant 12 : index
    %get3A_595 = arith.constant 0 : index
    %get3A_596 = arith.constant 0 : index
    %get3A_597 = vector.load %arg1[%get3A_594, %get3A_595, %get3A_596] : memref<64x8x1280xf32, #tpu.memory_space<vmem>>, vector<1x8x1280xf32>
    %get3A_598 = vector.shape_cast %get3A_597 : vector<1x8x1280xf32> to vector<8x1280xf32>
    %mul3A_599 = arith.mulf %mul3A_492, %get3A_598 : vector<8x1280xf32>
    %add3A_600 = arith.addf %add3A_593, %mul3A_599 : vector<8x1280xf32>
    %get3A_601 = arith.constant 15 : index
    %get3A_602 = arith.constant 0 : index
    %get3A_603 = arith.constant 0 : index
    %get3A_604 = vector.load %arg1[%get3A_601, %get3A_602, %get3A_603] : memref<64x8x1280xf32, #tpu.memory_space<vmem>>, vector<1x8x1280xf32>
    %get3A_605 = vector.shape_cast %get3A_604 : vector<1x8x1280xf32> to vector<8x1280xf32>
    %mul3A_606 = arith.mulf %mul3A_495, %get3A_605 : vector<8x1280xf32>
    %add3A_607 = arith.addf %add3A_600, %mul3A_606 : vector<8x1280xf32>
    %get3A_608 = arith.constant 18 : index
    %get3A_609 = arith.constant 0 : index
    %get3A_610 = arith.constant 0 : index
    %get3A_611 = vector.load %arg1[%get3A_608, %get3A_609, %get3A_610] : memref<64x8x1280xf32, #tpu.memory_space<vmem>>, vector<1x8x1280xf32>
    %get3A_612 = vector.shape_cast %get3A_611 : vector<1x8x1280xf32> to vector<8x1280xf32>
    %mul3A_613 = arith.mulf %mul3A_498, %get3A_612 : vector<8x1280xf32>
    %add3A_614 = arith.addf %add3A_607, %mul3A_613 : vector<8x1280xf32>
    %get3A_615 = arith.constant 21 : index
    %get3A_616 = arith.constant 0 : index
    %get3A_617 = arith.constant 0 : index
    %get3A_618 = vector.load %arg1[%get3A_615, %get3A_616, %get3A_617] : memref<64x8x1280xf32, #tpu.memory_space<vmem>>, vector<1x8x1280xf32>
    %get3A_619 = vector.shape_cast %get3A_618 : vector<1x8x1280xf32> to vector<8x1280xf32>
    %mul3A_620 = arith.mulf %mul3A_506, %get3A_619 : vector<8x1280xf32>
    %add3A_621 = arith.addf %add3A_614, %mul3A_620 : vector<8x1280xf32>
    %get3A_622 = arith.constant 24 : index
    %get3A_623 = arith.constant 0 : index
    %get3A_624 = arith.constant 0 : index
    %get3A_625 = vector.load %arg1[%get3A_622, %get3A_623, %get3A_624] : memref<64x8x1280xf32, #tpu.memory_space<vmem>>, vector<1x8x1280xf32>
    %get3A_626 = vector.shape_cast %get3A_625 : vector<1x8x1280xf32> to vector<8x1280xf32>
    %mul3A_627 = arith.mulf %mul3A_509, %get3A_626 : vector<8x1280xf32>
    %add3A_628 = arith.addf %add3A_621, %mul3A_627 : vector<8x1280xf32>
    %get3A_629 = arith.constant 27 : index
    %get3A_630 = arith.constant 0 : index
    %get3A_631 = arith.constant 0 : index
    %get3A_632 = vector.load %arg1[%get3A_629, %get3A_630, %get3A_631] : memref<64x8x1280xf32, #tpu.memory_space<vmem>>, vector<1x8x1280xf32>
    %get3A_633 = vector.shape_cast %get3A_632 : vector<1x8x1280xf32> to vector<8x1280xf32>
    %mul3A_634 = arith.mulf %mul3A_513, %get3A_633 : vector<8x1280xf32>
    %add3A_635 = arith.addf %add3A_628, %mul3A_634 : vector<8x1280xf32>
    %get3A_636 = arith.constant 30 : index
    %get3A_637 = arith.constant 0 : index
    %get3A_638 = arith.constant 0 : index
    %get3A_639 = vector.load %arg1[%get3A_636, %get3A_637, %get3A_638] : memref<64x8x1280xf32, #tpu.memory_space<vmem>>, vector<1x8x1280xf32>
    %get3A_640 = vector.shape_cast %get3A_639 : vector<1x8x1280xf32> to vector<8x1280xf32>
    %mul3A_641 = arith.mulf %mul3A_521, %get3A_640 : vector<8x1280xf32>
    %add3A_642 = arith.addf %add3A_635, %mul3A_641 : vector<8x1280xf32>
    %get3A_643 = arith.constant 33 : index
    %get3A_644 = arith.constant 0 : index
    %get3A_645 = arith.constant 0 : index
    %get3A_646 = vector.load %arg1[%get3A_643, %get3A_644, %get3A_645] : memref<64x8x1280xf32, #tpu.memory_space<vmem>>, vector<1x8x1280xf32>
    %get3A_647 = vector.shape_cast %get3A_646 : vector<1x8x1280xf32> to vector<8x1280xf32>
    %mul3A_648 = arith.mulf %mul3A_525, %get3A_647 : vector<8x1280xf32>
    %add3A_649 = arith.addf %add3A_642, %mul3A_648 : vector<8x1280xf32>
    %get3A_650 = arith.constant 36 : index
    %get3A_651 = arith.constant 0 : index
    %get3A_652 = arith.constant 0 : index
    %get3A_653 = vector.load %arg1[%get3A_650, %get3A_651, %get3A_652] : memref<64x8x1280xf32, #tpu.memory_space<vmem>>, vector<1x8x1280xf32>
    %get3A_654 = vector.shape_cast %get3A_653 : vector<1x8x1280xf32> to vector<8x1280xf32>
    %mul3A_655 = arith.mulf %mul3A_534, %get3A_654 : vector<8x1280xf32>
    %add3A_656 = arith.addf %add3A_649, %mul3A_655 : vector<8x1280xf32>
    %get3A_657 = arith.constant 39 : index
    %get3A_658 = arith.constant 0 : index
    %get3A_659 = arith.constant 0 : index
    %get3A_660 = vector.load %arg1[%get3A_657, %get3A_658, %get3A_659] : memref<64x8x1280xf32, #tpu.memory_space<vmem>>, vector<1x8x1280xf32>
    %get3A_661 = vector.shape_cast %get3A_660 : vector<1x8x1280xf32> to vector<8x1280xf32>
    %mul3A_662 = arith.mulf %mul3A_549, %get3A_661 : vector<8x1280xf32>
    %add3A_663 = arith.addf %add3A_656, %mul3A_662 : vector<8x1280xf32>
    %get3A_664 = arith.constant 42 : index
    %get3A_665 = arith.constant 0 : index
    %get3A_666 = arith.constant 0 : index
    %get3A_667 = vector.load %arg1[%get3A_664, %get3A_665, %get3A_666] : memref<64x8x1280xf32, #tpu.memory_space<vmem>>, vector<1x8x1280xf32>
    %get3A_668 = vector.shape_cast %get3A_667 : vector<1x8x1280xf32> to vector<8x1280xf32>
    %mul3A_669 = arith.mulf %mul3A_558, %get3A_668 : vector<8x1280xf32>
    %add3A_670 = arith.addf %add3A_663, %mul3A_669 : vector<8x1280xf32>
    %get3A_671 = arith.constant 45 : index
    %get3A_672 = arith.constant 0 : index
    %get3A_673 = arith.constant 0 : index
    %get3A_674 = vector.load %arg1[%get3A_671, %get3A_672, %get3A_673] : memref<64x8x1280xf32, #tpu.memory_space<vmem>>, vector<1x8x1280xf32>
    %get3A_675 = vector.shape_cast %get3A_674 : vector<1x8x1280xf32> to vector<8x1280xf32>
    %mul3A_676 = arith.mulf %mul3A_563, %get3A_675 : vector<8x1280xf32>
    %add3A_677 = arith.addf %add3A_670, %mul3A_676 : vector<8x1280xf32>
    %get3A_678 = arith.constant 48 : index
    %get3A_679 = arith.constant 0 : index
    %get3A_680 = arith.constant 0 : index
    %get3A_681 = vector.load %arg1[%get3A_678, %get3A_679, %get3A_680] : memref<64x8x1280xf32, #tpu.memory_space<vmem>>, vector<1x8x1280xf32>
    %get3A_682 = vector.shape_cast %get3A_681 : vector<1x8x1280xf32> to vector<8x1280xf32>
    %mul3A_683 = arith.mulf %mul3A_571, %get3A_682 : vector<8x1280xf32>
    %add3A_684 = arith.addf %add3A_677, %mul3A_683 : vector<8x1280xf32>
    %add3A_685 = arith.constant 5.000000e-01 : f32
    %add3A_686 = vector.broadcast %add3A_685 : f32 to vector<8x1280xf32>
    %add3A_687 = arith.addf %add3A_684, %add3A_686 : vector<8x1280xf32>
    %max3A = arith.constant 0.000000e+00 : f32
    %max3A_688 = vector.broadcast %max3A : f32 to vector<8x1280xf32>
    %max3A_689 = arith.maximumf %add3A_687, %max3A_688 : vector<8x1280xf32>
    %convert_element_type3A_690 = arith.truncf %max3A_689 : vector<8x1280xf32> to vector<8x1280xbf16>
    %convert_element_type3A_691 = arith.extf %convert_element_type3A_690 : vector<8x1280xbf16> to vector<8x1280xf32>
    %get3A_692 = arith.constant 4 : index
    %get3A_693 = arith.constant 0 : index
    %get3A_694 = arith.constant 0 : index
    %get3A_695 = vector.load %arg1[%get3A_692, %get3A_693, %get3A_694] : memref<64x8x1280xf32, #tpu.memory_space<vmem>>, vector<1x8x1280xf32>
    %get3A_696 = vector.shape_cast %get3A_695 : vector<1x8x1280xf32> to vector<8x1280xf32>
    %mul3A_697 = arith.constant 0.282094806 : f32
    %mul3A_698 = vector.broadcast %mul3A_697 : f32 to vector<8x1280xf32>
    %mul3A_699 = arith.mulf %mul3A_698, %get3A_696 : vector<8x1280xf32>
    %get3A_700 = arith.constant 7 : index
    %get3A_701 = arith.constant 0 : index
    %get3A_702 = arith.constant 0 : index
    %get3A_703 = vector.load %arg1[%get3A_700, %get3A_701, %get3A_702] : memref<64x8x1280xf32, #tpu.memory_space<vmem>>, vector<1x8x1280xf32>
    %get3A_704 = vector.shape_cast %get3A_703 : vector<1x8x1280xf32> to vector<8x1280xf32>
    %mul3A_705 = arith.mulf %mul3A_486, %get3A_704 : vector<8x1280xf32>
    %add3A_706 = arith.addf %mul3A_699, %mul3A_705 : vector<8x1280xf32>
    %get3A_707 = arith.constant 10 : index
    %get3A_708 = arith.constant 0 : index
    %get3A_709 = arith.constant 0 : index
    %get3A_710 = vector.load %arg1[%get3A_707, %get3A_708, %get3A_709] : memref<64x8x1280xf32, #tpu.memory_space<vmem>>, vector<1x8x1280xf32>
    %get3A_711 = vector.shape_cast %get3A_710 : vector<1x8x1280xf32> to vector<8x1280xf32>
    %mul3A_712 = arith.mulf %mul3A_489, %get3A_711 : vector<8x1280xf32>
    %add3A_713 = arith.addf %add3A_706, %mul3A_712 : vector<8x1280xf32>
    %get3A_714 = arith.constant 13 : index
    %get3A_715 = arith.constant 0 : index
    %get3A_716 = arith.constant 0 : index
    %get3A_717 = vector.load %arg1[%get3A_714, %get3A_715, %get3A_716] : memref<64x8x1280xf32, #tpu.memory_space<vmem>>, vector<1x8x1280xf32>
    %get3A_718 = vector.shape_cast %get3A_717 : vector<1x8x1280xf32> to vector<8x1280xf32>
    %mul3A_719 = arith.mulf %mul3A_492, %get3A_718 : vector<8x1280xf32>
    %add3A_720 = arith.addf %add3A_713, %mul3A_719 : vector<8x1280xf32>
    %get3A_721 = arith.constant 16 : index
    %get3A_722 = arith.constant 0 : index
    %get3A_723 = arith.constant 0 : index
    %get3A_724 = vector.load %arg1[%get3A_721, %get3A_722, %get3A_723] : memref<64x8x1280xf32, #tpu.memory_space<vmem>>, vector<1x8x1280xf32>
    %get3A_725 = vector.shape_cast %get3A_724 : vector<1x8x1280xf32> to vector<8x1280xf32>
    %mul3A_726 = arith.mulf %mul3A_495, %get3A_725 : vector<8x1280xf32>
    %add3A_727 = arith.addf %add3A_720, %mul3A_726 : vector<8x1280xf32>
    %get3A_728 = arith.constant 19 : index
    %get3A_729 = arith.constant 0 : index
    %get3A_730 = arith.constant 0 : index
    %get3A_731 = vector.load %arg1[%get3A_728, %get3A_729, %get3A_730] : memref<64x8x1280xf32, #tpu.memory_space<vmem>>, vector<1x8x1280xf32>
    %get3A_732 = vector.shape_cast %get3A_731 : vector<1x8x1280xf32> to vector<8x1280xf32>
    %mul3A_733 = arith.mulf %mul3A_498, %get3A_732 : vector<8x1280xf32>
    %add3A_734 = arith.addf %add3A_727, %mul3A_733 : vector<8x1280xf32>
    %get3A_735 = arith.constant 22 : index
    %get3A_736 = arith.constant 0 : index
    %get3A_737 = arith.constant 0 : index
    %get3A_738 = vector.load %arg1[%get3A_735, %get3A_736, %get3A_737] : memref<64x8x1280xf32, #tpu.memory_space<vmem>>, vector<1x8x1280xf32>
    %get3A_739 = vector.shape_cast %get3A_738 : vector<1x8x1280xf32> to vector<8x1280xf32>
    %mul3A_740 = arith.mulf %mul3A_506, %get3A_739 : vector<8x1280xf32>
    %add3A_741 = arith.addf %add3A_734, %mul3A_740 : vector<8x1280xf32>
    %get3A_742 = arith.constant 25 : index
    %get3A_743 = arith.constant 0 : index
    %get3A_744 = arith.constant 0 : index
    %get3A_745 = vector.load %arg1[%get3A_742, %get3A_743, %get3A_744] : memref<64x8x1280xf32, #tpu.memory_space<vmem>>, vector<1x8x1280xf32>
    %get3A_746 = vector.shape_cast %get3A_745 : vector<1x8x1280xf32> to vector<8x1280xf32>
    %mul3A_747 = arith.mulf %mul3A_509, %get3A_746 : vector<8x1280xf32>
    %add3A_748 = arith.addf %add3A_741, %mul3A_747 : vector<8x1280xf32>
    %get3A_749 = arith.constant 28 : index
    %get3A_750 = arith.constant 0 : index
    %get3A_751 = arith.constant 0 : index
    %get3A_752 = vector.load %arg1[%get3A_749, %get3A_750, %get3A_751] : memref<64x8x1280xf32, #tpu.memory_space<vmem>>, vector<1x8x1280xf32>
    %get3A_753 = vector.shape_cast %get3A_752 : vector<1x8x1280xf32> to vector<8x1280xf32>
    %mul3A_754 = arith.mulf %mul3A_513, %get3A_753 : vector<8x1280xf32>
    %add3A_755 = arith.addf %add3A_748, %mul3A_754 : vector<8x1280xf32>
    %get3A_756 = arith.constant 31 : index
    %get3A_757 = arith.constant 0 : index
    %get3A_758 = arith.constant 0 : index
    %get3A_759 = vector.load %arg1[%get3A_756, %get3A_757, %get3A_758] : memref<64x8x1280xf32, #tpu.memory_space<vmem>>, vector<1x8x1280xf32>
    %get3A_760 = vector.shape_cast %get3A_759 : vector<1x8x1280xf32> to vector<8x1280xf32>
    %mul3A_761 = arith.mulf %mul3A_521, %get3A_760 : vector<8x1280xf32>
    %add3A_762 = arith.addf %add3A_755, %mul3A_761 : vector<8x1280xf32>
    %get3A_763 = arith.constant 34 : index
    %get3A_764 = arith.constant 0 : index
    %get3A_765 = arith.constant 0 : index
    %get3A_766 = vector.load %arg1[%get3A_763, %get3A_764, %get3A_765] : memref<64x8x1280xf32, #tpu.memory_space<vmem>>, vector<1x8x1280xf32>
    %get3A_767 = vector.shape_cast %get3A_766 : vector<1x8x1280xf32> to vector<8x1280xf32>
    %mul3A_768 = arith.mulf %mul3A_525, %get3A_767 : vector<8x1280xf32>
    %add3A_769 = arith.addf %add3A_762, %mul3A_768 : vector<8x1280xf32>
    %get3A_770 = arith.constant 37 : index
    %get3A_771 = arith.constant 0 : index
    %get3A_772 = arith.constant 0 : index
    %get3A_773 = vector.load %arg1[%get3A_770, %get3A_771, %get3A_772] : memref<64x8x1280xf32, #tpu.memory_space<vmem>>, vector<1x8x1280xf32>
    %get3A_774 = vector.shape_cast %get3A_773 : vector<1x8x1280xf32> to vector<8x1280xf32>
    %mul3A_775 = arith.mulf %mul3A_534, %get3A_774 : vector<8x1280xf32>
    %add3A_776 = arith.addf %add3A_769, %mul3A_775 : vector<8x1280xf32>
    %get3A_777 = arith.constant 40 : index
    %get3A_778 = arith.constant 0 : index
    %get3A_779 = arith.constant 0 : index
    %get3A_780 = vector.load %arg1[%get3A_777, %get3A_778, %get3A_779] : memref<64x8x1280xf32, #tpu.memory_space<vmem>>, vector<1x8x1280xf32>
    %get3A_781 = vector.shape_cast %get3A_780 : vector<1x8x1280xf32> to vector<8x1280xf32>
    %mul3A_782 = arith.mulf %mul3A_549, %get3A_781 : vector<8x1280xf32>
    %add3A_783 = arith.addf %add3A_776, %mul3A_782 : vector<8x1280xf32>
    %get3A_784 = arith.constant 43 : index
    %get3A_785 = arith.constant 0 : index
    %get3A_786 = arith.constant 0 : index
    %get3A_787 = vector.load %arg1[%get3A_784, %get3A_785, %get3A_786] : memref<64x8x1280xf32, #tpu.memory_space<vmem>>, vector<1x8x1280xf32>
    %get3A_788 = vector.shape_cast %get3A_787 : vector<1x8x1280xf32> to vector<8x1280xf32>
    %mul3A_789 = arith.mulf %mul3A_558, %get3A_788 : vector<8x1280xf32>
    %add3A_790 = arith.addf %add3A_783, %mul3A_789 : vector<8x1280xf32>
    %get3A_791 = arith.constant 46 : index
    %get3A_792 = arith.constant 0 : index
    %get3A_793 = arith.constant 0 : index
    %get3A_794 = vector.load %arg1[%get3A_791, %get3A_792, %get3A_793] : memref<64x8x1280xf32, #tpu.memory_space<vmem>>, vector<1x8x1280xf32>
    %get3A_795 = vector.shape_cast %get3A_794 : vector<1x8x1280xf32> to vector<8x1280xf32>
    %mul3A_796 = arith.mulf %mul3A_563, %get3A_795 : vector<8x1280xf32>
    %add3A_797 = arith.addf %add3A_790, %mul3A_796 : vector<8x1280xf32>
    %get3A_798 = arith.constant 49 : index
    %get3A_799 = arith.constant 0 : index
    %get3A_800 = arith.constant 0 : index
    %get3A_801 = vector.load %arg1[%get3A_798, %get3A_799, %get3A_800] : memref<64x8x1280xf32, #tpu.memory_space<vmem>>, vector<1x8x1280xf32>
    %get3A_802 = vector.shape_cast %get3A_801 : vector<1x8x1280xf32> to vector<8x1280xf32>
    %mul3A_803 = arith.mulf %mul3A_571, %get3A_802 : vector<8x1280xf32>
    %add3A_804 = arith.addf %add3A_797, %mul3A_803 : vector<8x1280xf32>
    %add3A_805 = arith.constant 5.000000e-01 : f32
    %add3A_806 = vector.broadcast %add3A_805 : f32 to vector<8x1280xf32>
    %add3A_807 = arith.addf %add3A_804, %add3A_806 : vector<8x1280xf32>
    %max3A_808 = arith.constant 0.000000e+00 : f32
    %max3A_809 = vector.broadcast %max3A_808 : f32 to vector<8x1280xf32>
    %max3A_810 = arith.maximumf %add3A_807, %max3A_809 : vector<8x1280xf32>
    %convert_element_type3A_811 = arith.truncf %max3A_810 : vector<8x1280xf32> to vector<8x1280xbf16>
    %convert_element_type3A_812 = arith.extf %convert_element_type3A_811 : vector<8x1280xbf16> to vector<8x1280xf32>
    %get3A_813 = arith.constant 5 : index
    %get3A_814 = arith.constant 0 : index
    %get3A_815 = arith.constant 0 : index
    %get3A_816 = vector.load %arg1[%get3A_813, %get3A_814, %get3A_815] : memref<64x8x1280xf32, #tpu.memory_space<vmem>>, vector<1x8x1280xf32>
    %get3A_817 = vector.shape_cast %get3A_816 : vector<1x8x1280xf32> to vector<8x1280xf32>
    %mul3A_818 = arith.constant 0.282094806 : f32
    %mul3A_819 = vector.broadcast %mul3A_818 : f32 to vector<8x1280xf32>
    %mul3A_820 = arith.mulf %mul3A_819, %get3A_817 : vector<8x1280xf32>
    %get3A_821 = arith.constant 8 : index
    %get3A_822 = arith.constant 0 : index
    %get3A_823 = arith.constant 0 : index
    %get3A_824 = vector.load %arg1[%get3A_821, %get3A_822, %get3A_823] : memref<64x8x1280xf32, #tpu.memory_space<vmem>>, vector<1x8x1280xf32>
    %get3A_825 = vector.shape_cast %get3A_824 : vector<1x8x1280xf32> to vector<8x1280xf32>
    %mul3A_826 = arith.mulf %mul3A_486, %get3A_825 : vector<8x1280xf32>
    %add3A_827 = arith.addf %mul3A_820, %mul3A_826 : vector<8x1280xf32>
    %get3A_828 = arith.constant 11 : index
    %get3A_829 = arith.constant 0 : index
    %get3A_830 = arith.constant 0 : index
    %get3A_831 = vector.load %arg1[%get3A_828, %get3A_829, %get3A_830] : memref<64x8x1280xf32, #tpu.memory_space<vmem>>, vector<1x8x1280xf32>
    %get3A_832 = vector.shape_cast %get3A_831 : vector<1x8x1280xf32> to vector<8x1280xf32>
    %mul3A_833 = arith.mulf %mul3A_489, %get3A_832 : vector<8x1280xf32>
    %add3A_834 = arith.addf %add3A_827, %mul3A_833 : vector<8x1280xf32>
    %get3A_835 = arith.constant 14 : index
    %get3A_836 = arith.constant 0 : index
    %get3A_837 = arith.constant 0 : index
    %get3A_838 = vector.load %arg1[%get3A_835, %get3A_836, %get3A_837] : memref<64x8x1280xf32, #tpu.memory_space<vmem>>, vector<1x8x1280xf32>
    %get3A_839 = vector.shape_cast %get3A_838 : vector<1x8x1280xf32> to vector<8x1280xf32>
    %mul3A_840 = arith.mulf %mul3A_492, %get3A_839 : vector<8x1280xf32>
    %add3A_841 = arith.addf %add3A_834, %mul3A_840 : vector<8x1280xf32>
    %get3A_842 = arith.constant 17 : index
    %get3A_843 = arith.constant 0 : index
    %get3A_844 = arith.constant 0 : index
    %get3A_845 = vector.load %arg1[%get3A_842, %get3A_843, %get3A_844] : memref<64x8x1280xf32, #tpu.memory_space<vmem>>, vector<1x8x1280xf32>
    %get3A_846 = vector.shape_cast %get3A_845 : vector<1x8x1280xf32> to vector<8x1280xf32>
    %mul3A_847 = arith.mulf %mul3A_495, %get3A_846 : vector<8x1280xf32>
    %add3A_848 = arith.addf %add3A_841, %mul3A_847 : vector<8x1280xf32>
    %get3A_849 = arith.constant 20 : index
    %get3A_850 = arith.constant 0 : index
    %get3A_851 = arith.constant 0 : index
    %get3A_852 = vector.load %arg1[%get3A_849, %get3A_850, %get3A_851] : memref<64x8x1280xf32, #tpu.memory_space<vmem>>, vector<1x8x1280xf32>
    %get3A_853 = vector.shape_cast %get3A_852 : vector<1x8x1280xf32> to vector<8x1280xf32>
    %mul3A_854 = arith.mulf %mul3A_498, %get3A_853 : vector<8x1280xf32>
    %add3A_855 = arith.addf %add3A_848, %mul3A_854 : vector<8x1280xf32>
    %get3A_856 = arith.constant 23 : index
    %get3A_857 = arith.constant 0 : index
    %get3A_858 = arith.constant 0 : index
    %get3A_859 = vector.load %arg1[%get3A_856, %get3A_857, %get3A_858] : memref<64x8x1280xf32, #tpu.memory_space<vmem>>, vector<1x8x1280xf32>
    %get3A_860 = vector.shape_cast %get3A_859 : vector<1x8x1280xf32> to vector<8x1280xf32>
    %mul3A_861 = arith.mulf %mul3A_506, %get3A_860 : vector<8x1280xf32>
    %add3A_862 = arith.addf %add3A_855, %mul3A_861 : vector<8x1280xf32>
    %get3A_863 = arith.constant 26 : index
    %get3A_864 = arith.constant 0 : index
    %get3A_865 = arith.constant 0 : index
    %get3A_866 = vector.load %arg1[%get3A_863, %get3A_864, %get3A_865] : memref<64x8x1280xf32, #tpu.memory_space<vmem>>, vector<1x8x1280xf32>
    %get3A_867 = vector.shape_cast %get3A_866 : vector<1x8x1280xf32> to vector<8x1280xf32>
    %mul3A_868 = arith.mulf %mul3A_509, %get3A_867 : vector<8x1280xf32>
    %add3A_869 = arith.addf %add3A_862, %mul3A_868 : vector<8x1280xf32>
    %get3A_870 = arith.constant 29 : index
    %get3A_871 = arith.constant 0 : index
    %get3A_872 = arith.constant 0 : index
    %get3A_873 = vector.load %arg1[%get3A_870, %get3A_871, %get3A_872] : memref<64x8x1280xf32, #tpu.memory_space<vmem>>, vector<1x8x1280xf32>
    %get3A_874 = vector.shape_cast %get3A_873 : vector<1x8x1280xf32> to vector<8x1280xf32>
    %mul3A_875 = arith.mulf %mul3A_513, %get3A_874 : vector<8x1280xf32>
    %add3A_876 = arith.addf %add3A_869, %mul3A_875 : vector<8x1280xf32>
    %get3A_877 = arith.constant 32 : index
    %get3A_878 = arith.constant 0 : index
    %get3A_879 = arith.constant 0 : index
    %get3A_880 = vector.load %arg1[%get3A_877, %get3A_878, %get3A_879] : memref<64x8x1280xf32, #tpu.memory_space<vmem>>, vector<1x8x1280xf32>
    %get3A_881 = vector.shape_cast %get3A_880 : vector<1x8x1280xf32> to vector<8x1280xf32>
    %mul3A_882 = arith.mulf %mul3A_521, %get3A_881 : vector<8x1280xf32>
    %add3A_883 = arith.addf %add3A_876, %mul3A_882 : vector<8x1280xf32>
    %get3A_884 = arith.constant 35 : index
    %get3A_885 = arith.constant 0 : index
    %get3A_886 = arith.constant 0 : index
    %get3A_887 = vector.load %arg1[%get3A_884, %get3A_885, %get3A_886] : memref<64x8x1280xf32, #tpu.memory_space<vmem>>, vector<1x8x1280xf32>
    %get3A_888 = vector.shape_cast %get3A_887 : vector<1x8x1280xf32> to vector<8x1280xf32>
    %mul3A_889 = arith.mulf %mul3A_525, %get3A_888 : vector<8x1280xf32>
    %add3A_890 = arith.addf %add3A_883, %mul3A_889 : vector<8x1280xf32>
    %get3A_891 = arith.constant 38 : index
    %get3A_892 = arith.constant 0 : index
    %get3A_893 = arith.constant 0 : index
    %get3A_894 = vector.load %arg1[%get3A_891, %get3A_892, %get3A_893] : memref<64x8x1280xf32, #tpu.memory_space<vmem>>, vector<1x8x1280xf32>
    %get3A_895 = vector.shape_cast %get3A_894 : vector<1x8x1280xf32> to vector<8x1280xf32>
    %mul3A_896 = arith.mulf %mul3A_534, %get3A_895 : vector<8x1280xf32>
    %add3A_897 = arith.addf %add3A_890, %mul3A_896 : vector<8x1280xf32>
    %get3A_898 = arith.constant 41 : index
    %get3A_899 = arith.constant 0 : index
    %get3A_900 = arith.constant 0 : index
    %get3A_901 = vector.load %arg1[%get3A_898, %get3A_899, %get3A_900] : memref<64x8x1280xf32, #tpu.memory_space<vmem>>, vector<1x8x1280xf32>
    %get3A_902 = vector.shape_cast %get3A_901 : vector<1x8x1280xf32> to vector<8x1280xf32>
    %mul3A_903 = arith.mulf %mul3A_549, %get3A_902 : vector<8x1280xf32>
    %add3A_904 = arith.addf %add3A_897, %mul3A_903 : vector<8x1280xf32>
    %get3A_905 = arith.constant 44 : index
    %get3A_906 = arith.constant 0 : index
    %get3A_907 = arith.constant 0 : index
    %get3A_908 = vector.load %arg1[%get3A_905, %get3A_906, %get3A_907] : memref<64x8x1280xf32, #tpu.memory_space<vmem>>, vector<1x8x1280xf32>
    %get3A_909 = vector.shape_cast %get3A_908 : vector<1x8x1280xf32> to vector<8x1280xf32>
    %mul3A_910 = arith.mulf %mul3A_558, %get3A_909 : vector<8x1280xf32>
    %add3A_911 = arith.addf %add3A_904, %mul3A_910 : vector<8x1280xf32>
    %get3A_912 = arith.constant 47 : index
    %get3A_913 = arith.constant 0 : index
    %get3A_914 = arith.constant 0 : index
    %get3A_915 = vector.load %arg1[%get3A_912, %get3A_913, %get3A_914] : memref<64x8x1280xf32, #tpu.memory_space<vmem>>, vector<1x8x1280xf32>
    %get3A_916 = vector.shape_cast %get3A_915 : vector<1x8x1280xf32> to vector<8x1280xf32>
    %mul3A_917 = arith.mulf %mul3A_563, %get3A_916 : vector<8x1280xf32>
    %add3A_918 = arith.addf %add3A_911, %mul3A_917 : vector<8x1280xf32>
    %get3A_919 = arith.constant 50 : index
    %get3A_920 = arith.constant 0 : index
    %get3A_921 = arith.constant 0 : index
    %get3A_922 = vector.load %arg1[%get3A_919, %get3A_920, %get3A_921] : memref<64x8x1280xf32, #tpu.memory_space<vmem>>, vector<1x8x1280xf32>
    %get3A_923 = vector.shape_cast %get3A_922 : vector<1x8x1280xf32> to vector<8x1280xf32>
    %mul3A_924 = arith.mulf %mul3A_571, %get3A_923 : vector<8x1280xf32>
    %add3A_925 = arith.addf %add3A_918, %mul3A_924 : vector<8x1280xf32>
    %add3A_926 = arith.constant 5.000000e-01 : f32
    %add3A_927 = vector.broadcast %add3A_926 : f32 to vector<8x1280xf32>
    %add3A_928 = arith.addf %add3A_925, %add3A_927 : vector<8x1280xf32>
    %max3A_929 = arith.constant 0.000000e+00 : f32
    %max3A_930 = vector.broadcast %max3A_929 : f32 to vector<8x1280xf32>
    %max3A_931 = arith.maximumf %add3A_928, %max3A_930 : vector<8x1280xf32>
    %convert_element_type3A_932 = arith.truncf %max3A_931 : vector<8x1280xf32> to vector<8x1280xbf16>
    %convert_element_type3A_933 = arith.extf %convert_element_type3A_932 : vector<8x1280xbf16> to vector<8x1280xf32>
    %get3A_934 = arith.constant 51 : index
    %get3A_935 = arith.constant 0 : index
    %get3A_936 = arith.constant 0 : index
    %get3A_937 = vector.load %arg1[%get3A_934, %get3A_935, %get3A_936] : memref<64x8x1280xf32, #tpu.memory_space<vmem>>, vector<1x8x1280xf32>
    %get3A_938 = vector.shape_cast %get3A_937 : vector<1x8x1280xf32> to vector<8x1280xf32>
    %neg3A_939 = arith.constant 0.000000e+00 : f32
    %neg3A_940 = vector.broadcast %neg3A_939 : f32 to vector<8x1280xf32>
    %neg3A_941 = arith.subf %neg3A_940, %get3A_938 : vector<8x1280xf32>
    %exp3A_942 = math.exp %neg3A_941 : vector<8x1280xf32>
    %add3A_943 = arith.constant 1.000000e+00 : f32
    %add3A_944 = vector.broadcast %add3A_943 : f32 to vector<8x1280xf32>
    %add3A_945 = arith.addf %add3A_944, %exp3A_942 : vector<8x1280xf32>
    %div3A_946 = arith.constant 1.000000e+00 : f32
    %div3A_947 = vector.broadcast %div3A_946 : f32 to vector<8x1280xf32>
    %div3A_948 = arith.divf %div3A_947, %add3A_945 : vector<8x1280xf32>
    %iota3A = tpu.iota {dimensions = array<i32: 0>} : vector<8x1280xi32>
    %mul3A_949 = arith.constant 1280 : i32
    %mul3A_950 = vector.broadcast %mul3A_949 : i32 to vector<8x1280xi32>
    %mul3A_951 = arith.muli %iota3A, %mul3A_950 : vector<8x1280xi32>
    %iota3A_952 = tpu.iota {dimensions = array<i32: 1>} : vector<8x1280xi32>
    %add3A_953 = arith.addi %mul3A_951, %iota3A_952 : vector<8x1280xi32>
    %ge3A = arith.constant 10000 : i32
    %ge3A_954 = vector.broadcast %ge3A : i32 to vector<8x1280xi32>
    %ge3A_955 = arith.cmpi sge, %add3A_953, %ge3A_954 : vector<8x1280xi32>
    %jit3A = arith.constant 0x7F800000 : f32
    %broadcast_in_dim3A = vector.broadcast %jit3A : f32 to vector<8x1280xf32>
    %select_n3A = arith.select %ge3A_955, %broadcast_in_dim3A, %add3A_88 : vector<8x1280xi1>, vector<8x1280xf32>
    %jit3A_956 = arith.constant 0.000000e+00 : f32
    %broadcast_in_dim3A_957 = vector.broadcast %jit3A_956 : f32 to vector<8x1280xf32>
    %select_n3A_958 = arith.select %ge3A_955, %broadcast_in_dim3A_957, %div3A_948 : vector<8x1280xi1>, vector<8x1280xf32>
    %swap3A = arith.constant 0 : index
    %swap3A_959 = arith.constant 0 : index
    %swap3A_960 = arith.constant 0 : index
    %swap3A_961 = vector.load %arg2[%swap3A, %swap3A_959, %swap3A_960] : memref<10x8x1280xf32, #tpu.memory_space<vmem>>, vector<1x8x1280xf32>
    %swap3A_962 = vector.shape_cast %swap3A_961 : vector<1x8x1280xf32> to vector<8x1280xf32>
    %swap3A_963 = vector.shape_cast %add3A_94 : vector<8x1280xf32> to vector<1x8x1280xf32>
    tpu.vector_store %arg2[%swap3A, %swap3A_959, %swap3A_960], %swap3A_963 {strides = array<i32>} : memref<10x8x1280xf32, #tpu.memory_space<vmem>>, vector<1x8x1280xf32>,
    %swap3A_964 = arith.constant 1 : index
    %swap3A_965 = arith.constant 0 : index
    %swap3A_966 = arith.constant 0 : index
    %swap3A_967 = vector.load %arg2[%swap3A_964, %swap3A_965, %swap3A_966] : memref<10x8x1280xf32, #tpu.memory_space<vmem>>, vector<1x8x1280xf32>
    %swap3A_968 = vector.shape_cast %swap3A_967 : vector<1x8x1280xf32> to vector<8x1280xf32>
    %swap3A_969 = vector.shape_cast %add3A_101 : vector<8x1280xf32> to vector<1x8x1280xf32>
    tpu.vector_store %arg2[%swap3A_964, %swap3A_965, %swap3A_966], %swap3A_969 {strides = array<i32>} : memref<10x8x1280xf32, #tpu.memory_space<vmem>>, vector<1x8x1280xf32>,
    %swap3A_970 = arith.constant 2 : index
    %swap3A_971 = arith.constant 0 : index
    %swap3A_972 = arith.constant 0 : index
    %swap3A_973 = vector.load %arg2[%swap3A_970, %swap3A_971, %swap3A_972] : memref<10x8x1280xf32, #tpu.memory_space<vmem>>, vector<1x8x1280xf32>
    %swap3A_974 = vector.shape_cast %swap3A_973 : vector<1x8x1280xf32> to vector<8x1280xf32>
    %swap3A_975 = vector.shape_cast %mul3A_419 : vector<8x1280xf32> to vector<1x8x1280xf32>
    tpu.vector_store %arg2[%swap3A_970, %swap3A_971, %swap3A_972], %swap3A_975 {strides = array<i32>} : memref<10x8x1280xf32, #tpu.memory_space<vmem>>, vector<1x8x1280xf32>,
    %swap3A_976 = arith.constant 3 : index
    %swap3A_977 = arith.constant 0 : index
    %swap3A_978 = arith.constant 0 : index
    %swap3A_979 = vector.load %arg2[%swap3A_976, %swap3A_977, %swap3A_978] : memref<10x8x1280xf32, #tpu.memory_space<vmem>>, vector<1x8x1280xf32>
    %swap3A_980 = vector.shape_cast %swap3A_979 : vector<1x8x1280xf32> to vector<8x1280xf32>
    %swap3A_981 = vector.shape_cast %mul3A_425 : vector<8x1280xf32> to vector<1x8x1280xf32>
    tpu.vector_store %arg2[%swap3A_976, %swap3A_977, %swap3A_978], %swap3A_981 {strides = array<i32>} : memref<10x8x1280xf32, #tpu.memory_space<vmem>>, vector<1x8x1280xf32>,
    %swap3A_982 = arith.constant 4 : index
    %swap3A_983 = arith.constant 0 : index
    %swap3A_984 = arith.constant 0 : index
    %swap3A_985 = vector.load %arg2[%swap3A_982, %swap3A_983, %swap3A_984] : memref<10x8x1280xf32, #tpu.memory_space<vmem>>, vector<1x8x1280xf32>
    %swap3A_986 = vector.shape_cast %swap3A_985 : vector<1x8x1280xf32> to vector<8x1280xf32>
    %swap3A_987 = vector.shape_cast %mul3A_429 : vector<8x1280xf32> to vector<1x8x1280xf32>
    tpu.vector_store %arg2[%swap3A_982, %swap3A_983, %swap3A_984], %swap3A_987 {strides = array<i32>} : memref<10x8x1280xf32, #tpu.memory_space<vmem>>, vector<1x8x1280xf32>,
    %swap3A_988 = arith.constant 5 : index
    %swap3A_989 = arith.constant 0 : index
    %swap3A_990 = arith.constant 0 : index
    %swap3A_991 = vector.load %arg2[%swap3A_988, %swap3A_989, %swap3A_990] : memref<10x8x1280xf32, #tpu.memory_space<vmem>>, vector<1x8x1280xf32>
    %swap3A_992 = vector.shape_cast %swap3A_991 : vector<1x8x1280xf32> to vector<8x1280xf32>
    %swap3A_993 = vector.shape_cast %select_n3A_958 : vector<8x1280xf32> to vector<1x8x1280xf32>
    tpu.vector_store %arg2[%swap3A_988, %swap3A_989, %swap3A_990], %swap3A_993 {strides = array<i32>} : memref<10x8x1280xf32, #tpu.memory_space<vmem>>, vector<1x8x1280xf32>,
    %swap3A_994 = arith.constant 6 : index
    %swap3A_995 = arith.constant 0 : index
    %swap3A_996 = arith.constant 0 : index
    %swap3A_997 = vector.load %arg2[%swap3A_994, %swap3A_995, %swap3A_996] : memref<10x8x1280xf32, #tpu.memory_space<vmem>>, vector<1x8x1280xf32>
    %swap3A_998 = vector.shape_cast %swap3A_997 : vector<1x8x1280xf32> to vector<8x1280xf32>
    %swap3A_999 = vector.shape_cast %convert_element_type3A_691 : vector<8x1280xf32> to vector<1x8x1280xf32>
    tpu.vector_store %arg2[%swap3A_994, %swap3A_995, %swap3A_996], %swap3A_999 {strides = array<i32>} : memref<10x8x1280xf32, #tpu.memory_space<vmem>>, vector<1x8x1280xf32>,
    %swap3A_1000 = arith.constant 7 : index
    %swap3A_1001 = arith.constant 0 : index
    %swap3A_1002 = arith.constant 0 : index
    %swap3A_1003 = vector.load %arg2[%swap3A_1000, %swap3A_1001, %swap3A_1002] : memref<10x8x1280xf32, #tpu.memory_space<vmem>>, vector<1x8x1280xf32>
    %swap3A_1004 = vector.shape_cast %swap3A_1003 : vector<1x8x1280xf32> to vector<8x1280xf32>
    %swap3A_1005 = vector.shape_cast %convert_element_type3A_812 : vector<8x1280xf32> to vector<1x8x1280xf32>
    tpu.vector_store %arg2[%swap3A_1000, %swap3A_1001, %swap3A_1002], %swap3A_1005 {strides = array<i32>} : memref<10x8x1280xf32, #tpu.memory_space<vmem>>, vector<1x8x1280xf32>,
    %swap3A_1006 = arith.constant 8 : index
    %swap3A_1007 = arith.constant 0 : index
    %swap3A_1008 = arith.constant 0 : index
    %swap3A_1009 = vector.load %arg2[%swap3A_1006, %swap3A_1007, %swap3A_1008] : memref<10x8x1280xf32, #tpu.memory_space<vmem>>, vector<1x8x1280xf32>
    %swap3A_1010 = vector.shape_cast %swap3A_1009 : vector<1x8x1280xf32> to vector<8x1280xf32>
    %swap3A_1011 = vector.shape_cast %convert_element_type3A_933 : vector<8x1280xf32> to vector<1x8x1280xf32>
    tpu.vector_store %arg2[%swap3A_1006, %swap3A_1007, %swap3A_1008], %swap3A_1011 {strides = array<i32>} : memref<10x8x1280xf32, #tpu.memory_space<vmem>>, vector<1x8x1280xf32>,
    %swap3A_1012 = arith.constant 9 : index
    %swap3A_1013 = arith.constant 0 : index
    %swap3A_1014 = arith.constant 0 : index
    %swap3A_1015 = vector.load %arg2[%swap3A_1012, %swap3A_1013, %swap3A_1014] : memref<10x8x1280xf32, #tpu.memory_space<vmem>>, vector<1x8x1280xf32>
    %swap3A_1016 = vector.shape_cast %swap3A_1015 : vector<1x8x1280xf32> to vector<8x1280xf32>
    %swap3A_1017 = vector.shape_cast %select_n3A : vector<8x1280xf32> to vector<1x8x1280xf32>
    tpu.vector_store %arg2[%swap3A_1012, %swap3A_1013, %swap3A_1014], %swap3A_1017 {strides = array<i32>} : memref<10x8x1280xf32, #tpu.memory_space<vmem>>, vector<1x8x1280xf32>,
    %swap3A_1018 = arith.constant 0 : index
    %swap3A_1019 = arith.constant 0 : index
    %swap3A_1020 = arith.constant 0 : index
    %swap3A_1021 = vector.load %arg3[%swap3A_1018, %swap3A_1019, %swap3A_1020] : memref<2x8x1280xf32, #tpu.memory_space<vmem>>, vector<1x8x1280xf32>
    %swap3A_1022 = vector.shape_cast %swap3A_1021 : vector<1x8x1280xf32> to vector<8x1280xf32>
    %swap3A_1023 = vector.shape_cast %ceil3A : vector<8x1280xf32> to vector<1x8x1280xf32>
    tpu.vector_store %arg3[%swap3A_1018, %swap3A_1019, %swap3A_1020], %swap3A_1023 {strides = array<i32>} : memref<2x8x1280xf32, #tpu.memory_space<vmem>>, vector<1x8x1280xf32>,
    %swap3A_1024 = arith.constant 1 : index
    %swap3A_1025 = arith.constant 0 : index
    %swap3A_1026 = arith.constant 0 : index
    %swap3A_1027 = vector.load %arg3[%swap3A_1024, %swap3A_1025, %swap3A_1026] : memref<2x8x1280xf32, #tpu.memory_space<vmem>>, vector<1x8x1280xf32>
    %swap3A_1028 = vector.shape_cast %swap3A_1027 : vector<1x8x1280xf32> to vector<8x1280xf32>
    %swap3A_1029 = vector.shape_cast %ceil3A_438 : vector<8x1280xf32> to vector<1x8x1280xf32>
    tpu.vector_store %arg3[%swap3A_1024, %swap3A_1025, %swap3A_1026], %swap3A_1029 {strides = array<i32>} : memref<2x8x1280xf32, #tpu.memory_space<vmem>>, vector<1x8x1280xf32>,
    return
  }
}

module attributes {stable_mosaic.version = 14 : i64} {
  func.func @_splat_kernel(%arg0: i32, %arg1: memref<10x512xf32, #tpu.memory_space<smem>>, %arg2: memref<3x8x128xf32, #tpu.memory_space<vmem>>, %arg3: memref<4x8x128xf32, #tpu.memory_space<vmem>>) attributes {dimension_semantics = [#tpu.dimension_semantics<arbitrary>], iteration_bounds = array<i64: 20>, scalar_prefetch = 0 : i64, scratch_operands = 1 : i64, tpu.core_type = #tpu.core_type<tc>, window_params = [{transform_indices = @transform_0, window_bounds = array<i64: 10, 512>}, {pipeline_mode = #tpu.pipeline_mode<synchronous>, transform_indices = @transform_1, window_bounds = array<i64: 3, 8, 128>}]} {
    %eq3A = arith.constant 0 : i32
    %eq3A_0 = arith.cmpi eq, %arg0, %eq3A : i32
    %convert_element_type3A = arith.extui %eq3A_0 : i1 to i32
    %cond3A = arith.constant 0 : i32
    %cond3A_1 = arith.cmpi ne, %convert_element_type3A, %cond3A : i32
    scf.if %cond3A_1 {
      %broadcast_in_dim3A = arith.constant 1.000000e+00 : f32
      %broadcast_in_dim3A_103 = vector.broadcast %broadcast_in_dim3A : f32 to vector<8x128xf32>
      %swap3A_104 = arith.constant 0 : index
      %swap3A_105 = arith.constant 0 : index
      %swap3A_106 = arith.constant 0 : index
      %swap3A_107 = vector.load %arg3[%swap3A_104, %swap3A_105, %swap3A_106] : memref<4x8x128xf32, #tpu.memory_space<vmem>>, vector<1x8x128xf32>
      %swap3A_108 = vector.shape_cast %swap3A_107 : vector<1x8x128xf32> to vector<8x128xf32>
      %swap3A_109 = vector.shape_cast %broadcast_in_dim3A_103 : vector<8x128xf32> to vector<1x8x128xf32>
      tpu.vector_store %arg3[%swap3A_104, %swap3A_105, %swap3A_106], %swap3A_109 {strides = array<i32>} : memref<4x8x128xf32, #tpu.memory_space<vmem>>, vector<1x8x128xf32>,
      %broadcast_in_dim3A_110 = arith.constant 0.000000e+00 : f32
      %broadcast_in_dim3A_111 = vector.broadcast %broadcast_in_dim3A_110 : f32 to vector<8x128xf32>
      %swap3A_112 = arith.constant 1 : index
      %swap3A_113 = arith.constant 0 : index
      %swap3A_114 = arith.constant 0 : index
      %swap3A_115 = vector.load %arg3[%swap3A_112, %swap3A_113, %swap3A_114] : memref<4x8x128xf32, #tpu.memory_space<vmem>>, vector<1x8x128xf32>
      %swap3A_116 = vector.shape_cast %swap3A_115 : vector<1x8x128xf32> to vector<8x128xf32>
      %swap3A_117 = vector.shape_cast %broadcast_in_dim3A_111 : vector<8x128xf32> to vector<1x8x128xf32>
      tpu.vector_store %arg3[%swap3A_112, %swap3A_113, %swap3A_114], %swap3A_117 {strides = array<i32>} : memref<4x8x128xf32, #tpu.memory_space<vmem>>, vector<1x8x128xf32>,
      %broadcast_in_dim3A_118 = arith.constant 0.000000e+00 : f32
      %broadcast_in_dim3A_119 = vector.broadcast %broadcast_in_dim3A_118 : f32 to vector<8x128xf32>
      %swap3A_120 = arith.constant 2 : index
      %swap3A_121 = arith.constant 0 : index
      %swap3A_122 = arith.constant 0 : index
      %swap3A_123 = vector.load %arg3[%swap3A_120, %swap3A_121, %swap3A_122] : memref<4x8x128xf32, #tpu.memory_space<vmem>>, vector<1x8x128xf32>
      %swap3A_124 = vector.shape_cast %swap3A_123 : vector<1x8x128xf32> to vector<8x128xf32>
      %swap3A_125 = vector.shape_cast %broadcast_in_dim3A_119 : vector<8x128xf32> to vector<1x8x128xf32>
      tpu.vector_store %arg3[%swap3A_120, %swap3A_121, %swap3A_122], %swap3A_125 {strides = array<i32>} : memref<4x8x128xf32, #tpu.memory_space<vmem>>, vector<1x8x128xf32>,
      %broadcast_in_dim3A_126 = arith.constant 0.000000e+00 : f32
      %broadcast_in_dim3A_127 = vector.broadcast %broadcast_in_dim3A_126 : f32 to vector<8x128xf32>
      %swap3A_128 = arith.constant 3 : index
      %swap3A_129 = arith.constant 0 : index
      %swap3A_130 = arith.constant 0 : index
      %swap3A_131 = vector.load %arg3[%swap3A_128, %swap3A_129, %swap3A_130] : memref<4x8x128xf32, #tpu.memory_space<vmem>>, vector<1x8x128xf32>
      %swap3A_132 = vector.shape_cast %swap3A_131 : vector<1x8x128xf32> to vector<8x128xf32>
      %swap3A_133 = vector.shape_cast %broadcast_in_dim3A_127 : vector<8x128xf32> to vector<1x8x128xf32>
      tpu.vector_store %arg3[%swap3A_128, %swap3A_129, %swap3A_130], %swap3A_133 {strides = array<i32>} : memref<4x8x128xf32, #tpu.memory_space<vmem>>, vector<1x8x128xf32>,
    } else {
    }
    %iota3A = tpu.iota {dimensions = array<i32: 0>} : vector<8x128xi32>
    %mul3A = arith.constant 128 : i32
    %mul3A_2 = vector.broadcast %mul3A : i32 to vector<8x128xi32>
    %mul3A_3 = arith.muli %iota3A, %mul3A_2 : vector<8x128xi32>
    %iota3A_4 = tpu.iota {dimensions = array<i32: 1>} : vector<8x128xi32>
    %add3A = arith.addi %mul3A_3, %iota3A_4 : vector<8x128xi32>
    %jit3A = arith.constant 32 : i32
    %eq3A_5 = arith.constant 0 : i32
    %eq3A_6 = arith.cmpi eq, %jit3A, %eq3A_5 : i32
    %jit3A_7 = arith.constant 1 : i32
    %select_n3A = arith.select %eq3A_6, %jit3A_7, %jit3A : i32
    %rem3A = vector.broadcast %select_n3A : i32 to vector<8x128xi32>
    %rem3A_8 = arith.remsi %add3A, %rem3A : vector<8x128xi32>
    %ne3A = arith.constant 0 : i32
    %ne3A_9 = vector.broadcast %ne3A : i32 to vector<8x128xi32>
    %ne3A_10 = arith.cmpi ne, %rem3A_8, %ne3A_9 : vector<8x128xi32>
    %lt3A = arith.constant 0 : i32
    %lt3A_11 = vector.broadcast %lt3A : i32 to vector<8x128xi32>
    %lt3A_12 = arith.cmpi slt, %rem3A_8, %lt3A_11 : vector<8x128xi32>
    %lt3A_13 = arith.constant 0 : i32
    %lt3A_14 = arith.cmpi slt, %select_n3A, %lt3A_13 : i32
    %ne3A_15 = vector.broadcast %lt3A_14 : i1 to vector<8x128xi1>
    %ne3A_16 = vector.broadcast %ne3A_15 : vector<8x128xi1> to vector<8x128xi1>
    %ne3A_17 = arith.xori %lt3A_12, %ne3A_16 : vector<8x128xi1>
    %and3A = arith.andi %ne3A_17, %ne3A_10 : vector<8x128xi1>
    %add3A_18 = vector.broadcast %select_n3A : i32 to vector<8x128xi32>
    %add3A_19 = arith.addi %rem3A_8, %add3A_18 : vector<8x128xi32>
    %select_n3A_20 = arith.select %and3A, %add3A_19, %rem3A_8 : vector<8x128xi1>, vector<8x128xi32>
    %convert_element_type3A_21 = arith.sitofp %select_n3A_20 : vector<8x128xi32> to vector<8x128xf32>
    %jit3A_22 = arith.constant 32 : i32
    %div3A = vector.broadcast %jit3A_22 : i32 to vector<8x128xi32>
    %div3A_23 = arith.divsi %add3A, %div3A : vector<8x128xi32>
    %sign3A = arith.constant 0 : i32
    %sign3A_24 = vector.broadcast %sign3A : i32 to vector<8x128xi32>
    %sign3A_25 = arith.cmpi sgt, %add3A, %sign3A_24 : vector<8x128xi32>
    %sign3A_26 = arith.extui %sign3A_25 : vector<8x128xi1> to vector<8x128xi32>
    %sign3A_27 = arith.constant 0 : i32
    %sign3A_28 = vector.broadcast %sign3A_27 : i32 to vector<8x128xi32>
    %sign3A_29 = arith.cmpi slt, %add3A, %sign3A_28 : vector<8x128xi32>
    %sign3A_30 = arith.extui %sign3A_29 : vector<8x128xi1> to vector<8x128xi32>
    %sign3A_31 = arith.subi %sign3A_26, %sign3A_30 : vector<8x128xi32>
    %sign3A_32 = arith.constant 0 : i32
    %sign3A_33 = arith.cmpi sgt, %jit3A_22, %sign3A_32 : i32
    %sign3A_34 = arith.extui %sign3A_33 : i1 to i32
    %sign3A_35 = arith.constant 0 : i32
    %sign3A_36 = arith.cmpi slt, %jit3A_22, %sign3A_35 : i32
    %sign3A_37 = arith.extui %sign3A_36 : i1 to i32
    %sign3A_38 = arith.subi %sign3A_34, %sign3A_37 : i32
    %ne3A_39 = vector.broadcast %sign3A_38 : i32 to vector<8x128xi32>
    %ne3A_40 = arith.cmpi ne, %sign3A_31, %ne3A_39 : vector<8x128xi32>
    %rem3A_41 = vector.broadcast %jit3A_22 : i32 to vector<8x128xi32>
    %rem3A_42 = arith.remsi %add3A, %rem3A_41 : vector<8x128xi32>
    %ne3A_43 = arith.constant 0 : i32
    %ne3A_44 = vector.broadcast %ne3A_43 : i32 to vector<8x128xi32>
    %ne3A_45 = arith.cmpi ne, %rem3A_42, %ne3A_44 : vector<8x128xi32>
    %and3A_46 = arith.andi %ne3A_40, %ne3A_45 : vector<8x128xi1>
    %sub3A = arith.constant 1 : i32
    %sub3A_47 = vector.broadcast %sub3A : i32 to vector<8x128xi32>
    %sub3A_48 = arith.subi %div3A_23, %sub3A_47 : vector<8x128xi32>
    %select_n3A_49 = arith.select %and3A_46, %sub3A_48, %div3A_23 : vector<8x128xi1>, vector<8x128xi32>
    %convert_element_type3A_50 = arith.sitofp %select_n3A_49 : vector<8x128xi32> to vector<8x128xf32>
    %get3A = arith.constant 0 : index
    %get3A_51 = arith.constant 0 : index
    %get3A_52 = arith.constant 0 : index
    %get3A_53 = vector.load %arg3[%get3A, %get3A_51, %get3A_52] : memref<4x8x128xf32, #tpu.memory_space<vmem>>, vector<1x8x128xf32>
    %get3A_54 = vector.shape_cast %get3A_53 : vector<1x8x128xf32> to vector<8x128xf32>
    %get3A_55 = arith.constant 1 : index
    %get3A_56 = arith.constant 0 : index
    %get3A_57 = arith.constant 0 : index
    %get3A_58 = vector.load %arg3[%get3A_55, %get3A_56, %get3A_57] : memref<4x8x128xf32, #tpu.memory_space<vmem>>, vector<1x8x128xf32>
    %get3A_59 = vector.shape_cast %get3A_58 : vector<1x8x128xf32> to vector<8x128xf32>
    %get3A_60 = arith.constant 2 : index
    %get3A_61 = arith.constant 0 : index
    %get3A_62 = arith.constant 0 : index
    %get3A_63 = vector.load %arg3[%get3A_60, %get3A_61, %get3A_62] : memref<4x8x128xf32, #tpu.memory_space<vmem>>, vector<1x8x128xf32>
    %get3A_64 = vector.shape_cast %get3A_63 : vector<1x8x128xf32> to vector<8x128xf32>
    %get3A_65 = arith.constant 3 : index
    %get3A_66 = arith.constant 0 : index
    %get3A_67 = arith.constant 0 : index
    %get3A_68 = vector.load %arg3[%get3A_65, %get3A_66, %get3A_67] : memref<4x8x128xf32, #tpu.memory_space<vmem>>, vector<1x8x128xf32>
    %get3A_69 = vector.shape_cast %get3A_68 : vector<1x8x128xf32> to vector<8x128xf32>
    %scan3A = arith.constant 0 : i32
    %scan3A_70 = arith.constant 64 : i32
    %scan3A_71 = arith.addi %scan3A, %scan3A_70 : i32
    %scan3A_72 = arith.constant 1 : i32
    %scan3A_73:4 = scf.for %scan3A_103 = %scan3A to %scan3A_71 step %scan3A_72 iter_args(%scan3A_104 = %get3A_54, %scan3A_105 = %get3A_59, %scan3A_106 = %get3A_64, %scan3A_107 = %get3A_69) -> (vector<8x128xf32>, vector<8x128xf32>, vector<8x128xf32>, vector<8x128xf32>)  : i32 {
      %mul3A_108 = arith.constant 8 : i32
      %mul3A_109 = arith.muli %scan3A_103, %mul3A_108 : i32
      %add3A_110 = arith.constant 0 : i32
      %add3A_111 = arith.addi %mul3A_109, %add3A_110 : i32
      %get3A_112 = arith.constant 0 : index
      %get3A_113 = arith.index_cast %add3A_111 : i32 to index
      %get3A_114 = memref.load %arg1[%get3A_112, %get3A_113] : memref<10x512xf32, #tpu.memory_space<smem>>
      %get3A_115 = arith.constant 1 : index
      %get3A_116 = arith.index_cast %add3A_111 : i32 to index
      %get3A_117 = memref.load %arg1[%get3A_115, %get3A_116] : memref<10x512xf32, #tpu.memory_space<smem>>
      %get3A_118 = arith.constant 2 : index
      %get3A_119 = arith.index_cast %add3A_111 : i32 to index
      %get3A_120 = memref.load %arg1[%get3A_118, %get3A_119] : memref<10x512xf32, #tpu.memory_space<smem>>
      %get3A_121 = arith.constant 3 : index
      %get3A_122 = arith.index_cast %add3A_111 : i32 to index
      %get3A_123 = memref.load %arg1[%get3A_121, %get3A_122] : memref<10x512xf32, #tpu.memory_space<smem>>
      %get3A_124 = arith.constant 4 : index
      %get3A_125 = arith.index_cast %add3A_111 : i32 to index
      %get3A_126 = memref.load %arg1[%get3A_124, %get3A_125] : memref<10x512xf32, #tpu.memory_space<smem>>
      %get3A_127 = arith.constant 5 : index
      %get3A_128 = arith.index_cast %add3A_111 : i32 to index
      %get3A_129 = memref.load %arg1[%get3A_127, %get3A_128] : memref<10x512xf32, #tpu.memory_space<smem>>
      %get3A_130 = arith.constant 6 : index
      %get3A_131 = arith.index_cast %add3A_111 : i32 to index
      %get3A_132 = memref.load %arg1[%get3A_130, %get3A_131] : memref<10x512xf32, #tpu.memory_space<smem>>
      %get3A_133 = arith.constant 7 : index
      %get3A_134 = arith.index_cast %add3A_111 : i32 to index
      %get3A_135 = memref.load %arg1[%get3A_133, %get3A_134] : memref<10x512xf32, #tpu.memory_space<smem>>
      %get3A_136 = arith.constant 8 : index
      %get3A_137 = arith.index_cast %add3A_111 : i32 to index
      %get3A_138 = memref.load %arg1[%get3A_136, %get3A_137] : memref<10x512xf32, #tpu.memory_space<smem>>
      %sub3A_139 = vector.broadcast %get3A_114 : f32 to vector<8x128xf32>
      %sub3A_140 = arith.subf %convert_element_type3A_21, %sub3A_139 : vector<8x128xf32>
      %sub3A_141 = vector.broadcast %get3A_117 : f32 to vector<8x128xf32>
      %sub3A_142 = arith.subf %convert_element_type3A_50, %sub3A_141 : vector<8x128xf32>
      %mul3A_143 = vector.broadcast %get3A_120 : f32 to vector<8x128xf32>
      %mul3A_144 = arith.mulf %mul3A_143, %sub3A_140 : vector<8x128xf32>
      %mul3A_145 = vector.broadcast %get3A_123 : f32 to vector<8x128xf32>
      %mul3A_146 = arith.mulf %mul3A_145, %sub3A_142 : vector<8x128xf32>
      %add3A_147 = arith.addf %mul3A_144, %mul3A_146 : vector<8x128xf32>
      %mul3A_148 = arith.mulf %add3A_147, %sub3A_140 : vector<8x128xf32>
      %mul3A_149 = vector.broadcast %get3A_126 : f32 to vector<8x128xf32>
      %mul3A_150 = arith.mulf %mul3A_149, %sub3A_142 : vector<8x128xf32>
      %mul3A_151 = arith.mulf %mul3A_150, %sub3A_142 : vector<8x128xf32>
      %add3A_152 = arith.addf %mul3A_148, %mul3A_151 : vector<8x128xf32>
      %min3A = arith.constant 0.000000e+00 : f32
      %min3A_153 = vector.broadcast %min3A : f32 to vector<8x128xf32>
      %min3A_154 = arith.minimumf %add3A_152, %min3A_153 : vector<8x128xf32>
      %exp23A = math.exp2 %min3A_154 : vector<8x128xf32>
      %mul3A_155 = vector.broadcast %get3A_129 : f32 to vector<8x128xf32>
      %mul3A_156 = arith.mulf %mul3A_155, %exp23A : vector<8x128xf32>
      %min3A_157 = arith.constant 9.900000e-01 : f32
      %min3A_158 = vector.broadcast %min3A_157 : f32 to vector<8x128xf32>
      %min3A_159 = arith.minimumf %mul3A_156, %min3A_158 : vector<8x128xf32>
      %lt3A_160 = arith.constant 0.00392156886 : f32
      %lt3A_161 = vector.broadcast %lt3A_160 : f32 to vector<8x128xf32>
      %lt3A_162 = arith.cmpf olt, %min3A_159, %lt3A_161 : vector<8x128xf32>
      %jit3A_163 = arith.constant 0.000000e+00 : f32
      %broadcast_in_dim3A = vector.broadcast %jit3A_163 : f32 to vector<8x128xf32>
      %select_n3A_164 = arith.select %lt3A_162, %broadcast_in_dim3A, %min3A_159 : vector<8x128xi1>, vector<8x128xf32>
      %mul3A_165 = arith.mulf %select_n3A_164, %scan3A_104 : vector<8x128xf32>
      %sub3A_166 = arith.subf %scan3A_104, %mul3A_165 : vector<8x128xf32>
      %mul3A_167 = vector.broadcast %get3A_132 : f32 to vector<8x128xf32>
      %mul3A_168 = arith.mulf %mul3A_165, %mul3A_167 : vector<8x128xf32>
      %add3A_169 = arith.addf %scan3A_105, %mul3A_168 : vector<8x128xf32>
      %mul3A_170 = vector.broadcast %get3A_135 : f32 to vector<8x128xf32>
      %mul3A_171 = arith.mulf %mul3A_165, %mul3A_170 : vector<8x128xf32>
      %add3A_172 = arith.addf %scan3A_106, %mul3A_171 : vector<8x128xf32>
      %mul3A_173 = vector.broadcast %get3A_138 : f32 to vector<8x128xf32>
      %mul3A_174 = arith.mulf %mul3A_165, %mul3A_173 : vector<8x128xf32>
      %add3A_175 = arith.addf %scan3A_107, %mul3A_174 : vector<8x128xf32>
      %add3A_176 = arith.constant 1 : i32
      %add3A_177 = arith.addi %mul3A_109, %add3A_176 : i32
      %get3A_178 = arith.constant 0 : index
      %get3A_179 = arith.index_cast %add3A_177 : i32 to index
      %get3A_180 = memref.load %arg1[%get3A_178, %get3A_179] : memref<10x512xf32, #tpu.memory_space<smem>>
      %get3A_181 = arith.constant 1 : index
      %get3A_182 = arith.index_cast %add3A_177 : i32 to index
      %get3A_183 = memref.load %arg1[%get3A_181, %get3A_182] : memref<10x512xf32, #tpu.memory_space<smem>>
      %get3A_184 = arith.constant 2 : index
      %get3A_185 = arith.index_cast %add3A_177 : i32 to index
      %get3A_186 = memref.load %arg1[%get3A_184, %get3A_185] : memref<10x512xf32, #tpu.memory_space<smem>>
      %get3A_187 = arith.constant 3 : index
      %get3A_188 = arith.index_cast %add3A_177 : i32 to index
      %get3A_189 = memref.load %arg1[%get3A_187, %get3A_188] : memref<10x512xf32, #tpu.memory_space<smem>>
      %get3A_190 = arith.constant 4 : index
      %get3A_191 = arith.index_cast %add3A_177 : i32 to index
      %get3A_192 = memref.load %arg1[%get3A_190, %get3A_191] : memref<10x512xf32, #tpu.memory_space<smem>>
      %get3A_193 = arith.constant 5 : index
      %get3A_194 = arith.index_cast %add3A_177 : i32 to index
      %get3A_195 = memref.load %arg1[%get3A_193, %get3A_194] : memref<10x512xf32, #tpu.memory_space<smem>>
      %get3A_196 = arith.constant 6 : index
      %get3A_197 = arith.index_cast %add3A_177 : i32 to index
      %get3A_198 = memref.load %arg1[%get3A_196, %get3A_197] : memref<10x512xf32, #tpu.memory_space<smem>>
      %get3A_199 = arith.constant 7 : index
      %get3A_200 = arith.index_cast %add3A_177 : i32 to index
      %get3A_201 = memref.load %arg1[%get3A_199, %get3A_200] : memref<10x512xf32, #tpu.memory_space<smem>>
      %get3A_202 = arith.constant 8 : index
      %get3A_203 = arith.index_cast %add3A_177 : i32 to index
      %get3A_204 = memref.load %arg1[%get3A_202, %get3A_203] : memref<10x512xf32, #tpu.memory_space<smem>>
      %sub3A_205 = vector.broadcast %get3A_180 : f32 to vector<8x128xf32>
      %sub3A_206 = arith.subf %convert_element_type3A_21, %sub3A_205 : vector<8x128xf32>
      %sub3A_207 = vector.broadcast %get3A_183 : f32 to vector<8x128xf32>
      %sub3A_208 = arith.subf %convert_element_type3A_50, %sub3A_207 : vector<8x128xf32>
      %mul3A_209 = vector.broadcast %get3A_186 : f32 to vector<8x128xf32>
      %mul3A_210 = arith.mulf %mul3A_209, %sub3A_206 : vector<8x128xf32>
      %mul3A_211 = vector.broadcast %get3A_189 : f32 to vector<8x128xf32>
      %mul3A_212 = arith.mulf %mul3A_211, %sub3A_208 : vector<8x128xf32>
      %add3A_213 = arith.addf %mul3A_210, %mul3A_212 : vector<8x128xf32>
      %mul3A_214 = arith.mulf %add3A_213, %sub3A_206 : vector<8x128xf32>
      %mul3A_215 = vector.broadcast %get3A_192 : f32 to vector<8x128xf32>
      %mul3A_216 = arith.mulf %mul3A_215, %sub3A_208 : vector<8x128xf32>
      %mul3A_217 = arith.mulf %mul3A_216, %sub3A_208 : vector<8x128xf32>
      %add3A_218 = arith.addf %mul3A_214, %mul3A_217 : vector<8x128xf32>
      %min3A_219 = arith.constant 0.000000e+00 : f32
      %min3A_220 = vector.broadcast %min3A_219 : f32 to vector<8x128xf32>
      %min3A_221 = arith.minimumf %add3A_218, %min3A_220 : vector<8x128xf32>
      %exp23A_222 = math.exp2 %min3A_221 : vector<8x128xf32>
      %mul3A_223 = vector.broadcast %get3A_195 : f32 to vector<8x128xf32>
      %mul3A_224 = arith.mulf %mul3A_223, %exp23A_222 : vector<8x128xf32>
      %min3A_225 = arith.constant 9.900000e-01 : f32
      %min3A_226 = vector.broadcast %min3A_225 : f32 to vector<8x128xf32>
      %min3A_227 = arith.minimumf %mul3A_224, %min3A_226 : vector<8x128xf32>
      %lt3A_228 = arith.constant 0.00392156886 : f32
      %lt3A_229 = vector.broadcast %lt3A_228 : f32 to vector<8x128xf32>
      %lt3A_230 = arith.cmpf olt, %min3A_227, %lt3A_229 : vector<8x128xf32>
      %jit3A_231 = arith.constant 0.000000e+00 : f32
      %broadcast_in_dim3A_232 = vector.broadcast %jit3A_231 : f32 to vector<8x128xf32>
      %select_n3A_233 = arith.select %lt3A_230, %broadcast_in_dim3A_232, %min3A_227 : vector<8x128xi1>, vector<8x128xf32>
      %mul3A_234 = arith.mulf %select_n3A_233, %sub3A_166 : vector<8x128xf32>
      %sub3A_235 = arith.subf %sub3A_166, %mul3A_234 : vector<8x128xf32>
      %mul3A_236 = vector.broadcast %get3A_198 : f32 to vector<8x128xf32>
      %mul3A_237 = arith.mulf %mul3A_234, %mul3A_236 : vector<8x128xf32>
      %add3A_238 = arith.addf %add3A_169, %mul3A_237 : vector<8x128xf32>
      %mul3A_239 = vector.broadcast %get3A_201 : f32 to vector<8x128xf32>
      %mul3A_240 = arith.mulf %mul3A_234, %mul3A_239 : vector<8x128xf32>
      %add3A_241 = arith.addf %add3A_172, %mul3A_240 : vector<8x128xf32>
      %mul3A_242 = vector.broadcast %get3A_204 : f32 to vector<8x128xf32>
      %mul3A_243 = arith.mulf %mul3A_234, %mul3A_242 : vector<8x128xf32>
      %add3A_244 = arith.addf %add3A_175, %mul3A_243 : vector<8x128xf32>
      %add3A_245 = arith.constant 2 : i32
      %add3A_246 = arith.addi %mul3A_109, %add3A_245 : i32
      %get3A_247 = arith.constant 0 : index
      %get3A_248 = arith.index_cast %add3A_246 : i32 to index
      %get3A_249 = memref.load %arg1[%get3A_247, %get3A_248] : memref<10x512xf32, #tpu.memory_space<smem>>
      %get3A_250 = arith.constant 1 : index
      %get3A_251 = arith.index_cast %add3A_246 : i32 to index
      %get3A_252 = memref.load %arg1[%get3A_250, %get3A_251] : memref<10x512xf32, #tpu.memory_space<smem>>
      %get3A_253 = arith.constant 2 : index
      %get3A_254 = arith.index_cast %add3A_246 : i32 to index
      %get3A_255 = memref.load %arg1[%get3A_253, %get3A_254] : memref<10x512xf32, #tpu.memory_space<smem>>
      %get3A_256 = arith.constant 3 : index
      %get3A_257 = arith.index_cast %add3A_246 : i32 to index
      %get3A_258 = memref.load %arg1[%get3A_256, %get3A_257] : memref<10x512xf32, #tpu.memory_space<smem>>
      %get3A_259 = arith.constant 4 : index
      %get3A_260 = arith.index_cast %add3A_246 : i32 to index
      %get3A_261 = memref.load %arg1[%get3A_259, %get3A_260] : memref<10x512xf32, #tpu.memory_space<smem>>
      %get3A_262 = arith.constant 5 : index
      %get3A_263 = arith.index_cast %add3A_246 : i32 to index
      %get3A_264 = memref.load %arg1[%get3A_262, %get3A_263] : memref<10x512xf32, #tpu.memory_space<smem>>
      %get3A_265 = arith.constant 6 : index
      %get3A_266 = arith.index_cast %add3A_246 : i32 to index
      %get3A_267 = memref.load %arg1[%get3A_265, %get3A_266] : memref<10x512xf32, #tpu.memory_space<smem>>
      %get3A_268 = arith.constant 7 : index
      %get3A_269 = arith.index_cast %add3A_246 : i32 to index
      %get3A_270 = memref.load %arg1[%get3A_268, %get3A_269] : memref<10x512xf32, #tpu.memory_space<smem>>
      %get3A_271 = arith.constant 8 : index
      %get3A_272 = arith.index_cast %add3A_246 : i32 to index
      %get3A_273 = memref.load %arg1[%get3A_271, %get3A_272] : memref<10x512xf32, #tpu.memory_space<smem>>
      %sub3A_274 = vector.broadcast %get3A_249 : f32 to vector<8x128xf32>
      %sub3A_275 = arith.subf %convert_element_type3A_21, %sub3A_274 : vector<8x128xf32>
      %sub3A_276 = vector.broadcast %get3A_252 : f32 to vector<8x128xf32>
      %sub3A_277 = arith.subf %convert_element_type3A_50, %sub3A_276 : vector<8x128xf32>
      %mul3A_278 = vector.broadcast %get3A_255 : f32 to vector<8x128xf32>
      %mul3A_279 = arith.mulf %mul3A_278, %sub3A_275 : vector<8x128xf32>
      %mul3A_280 = vector.broadcast %get3A_258 : f32 to vector<8x128xf32>
      %mul3A_281 = arith.mulf %mul3A_280, %sub3A_277 : vector<8x128xf32>
      %add3A_282 = arith.addf %mul3A_279, %mul3A_281 : vector<8x128xf32>
      %mul3A_283 = arith.mulf %add3A_282, %sub3A_275 : vector<8x128xf32>
      %mul3A_284 = vector.broadcast %get3A_261 : f32 to vector<8x128xf32>
      %mul3A_285 = arith.mulf %mul3A_284, %sub3A_277 : vector<8x128xf32>
      %mul3A_286 = arith.mulf %mul3A_285, %sub3A_277 : vector<8x128xf32>
      %add3A_287 = arith.addf %mul3A_283, %mul3A_286 : vector<8x128xf32>
      %min3A_288 = arith.constant 0.000000e+00 : f32
      %min3A_289 = vector.broadcast %min3A_288 : f32 to vector<8x128xf32>
      %min3A_290 = arith.minimumf %add3A_287, %min3A_289 : vector<8x128xf32>
      %exp23A_291 = math.exp2 %min3A_290 : vector<8x128xf32>
      %mul3A_292 = vector.broadcast %get3A_264 : f32 to vector<8x128xf32>
      %mul3A_293 = arith.mulf %mul3A_292, %exp23A_291 : vector<8x128xf32>
      %min3A_294 = arith.constant 9.900000e-01 : f32
      %min3A_295 = vector.broadcast %min3A_294 : f32 to vector<8x128xf32>
      %min3A_296 = arith.minimumf %mul3A_293, %min3A_295 : vector<8x128xf32>
      %lt3A_297 = arith.constant 0.00392156886 : f32
      %lt3A_298 = vector.broadcast %lt3A_297 : f32 to vector<8x128xf32>
      %lt3A_299 = arith.cmpf olt, %min3A_296, %lt3A_298 : vector<8x128xf32>
      %jit3A_300 = arith.constant 0.000000e+00 : f32
      %broadcast_in_dim3A_301 = vector.broadcast %jit3A_300 : f32 to vector<8x128xf32>
      %select_n3A_302 = arith.select %lt3A_299, %broadcast_in_dim3A_301, %min3A_296 : vector<8x128xi1>, vector<8x128xf32>
      %mul3A_303 = arith.mulf %select_n3A_302, %sub3A_235 : vector<8x128xf32>
      %sub3A_304 = arith.subf %sub3A_235, %mul3A_303 : vector<8x128xf32>
      %mul3A_305 = vector.broadcast %get3A_267 : f32 to vector<8x128xf32>
      %mul3A_306 = arith.mulf %mul3A_303, %mul3A_305 : vector<8x128xf32>
      %add3A_307 = arith.addf %add3A_238, %mul3A_306 : vector<8x128xf32>
      %mul3A_308 = vector.broadcast %get3A_270 : f32 to vector<8x128xf32>
      %mul3A_309 = arith.mulf %mul3A_303, %mul3A_308 : vector<8x128xf32>
      %add3A_310 = arith.addf %add3A_241, %mul3A_309 : vector<8x128xf32>
      %mul3A_311 = vector.broadcast %get3A_273 : f32 to vector<8x128xf32>
      %mul3A_312 = arith.mulf %mul3A_303, %mul3A_311 : vector<8x128xf32>
      %add3A_313 = arith.addf %add3A_244, %mul3A_312 : vector<8x128xf32>
      %add3A_314 = arith.constant 3 : i32
      %add3A_315 = arith.addi %mul3A_109, %add3A_314 : i32
      %get3A_316 = arith.constant 0 : index
      %get3A_317 = arith.index_cast %add3A_315 : i32 to index
      %get3A_318 = memref.load %arg1[%get3A_316, %get3A_317] : memref<10x512xf32, #tpu.memory_space<smem>>
      %get3A_319 = arith.constant 1 : index
      %get3A_320 = arith.index_cast %add3A_315 : i32 to index
      %get3A_321 = memref.load %arg1[%get3A_319, %get3A_320] : memref<10x512xf32, #tpu.memory_space<smem>>
      %get3A_322 = arith.constant 2 : index
      %get3A_323 = arith.index_cast %add3A_315 : i32 to index
      %get3A_324 = memref.load %arg1[%get3A_322, %get3A_323] : memref<10x512xf32, #tpu.memory_space<smem>>
      %get3A_325 = arith.constant 3 : index
      %get3A_326 = arith.index_cast %add3A_315 : i32 to index
      %get3A_327 = memref.load %arg1[%get3A_325, %get3A_326] : memref<10x512xf32, #tpu.memory_space<smem>>
      %get3A_328 = arith.constant 4 : index
      %get3A_329 = arith.index_cast %add3A_315 : i32 to index
      %get3A_330 = memref.load %arg1[%get3A_328, %get3A_329] : memref<10x512xf32, #tpu.memory_space<smem>>
      %get3A_331 = arith.constant 5 : index
      %get3A_332 = arith.index_cast %add3A_315 : i32 to index
      %get3A_333 = memref.load %arg1[%get3A_331, %get3A_332] : memref<10x512xf32, #tpu.memory_space<smem>>
      %get3A_334 = arith.constant 6 : index
      %get3A_335 = arith.index_cast %add3A_315 : i32 to index
      %get3A_336 = memref.load %arg1[%get3A_334, %get3A_335] : memref<10x512xf32, #tpu.memory_space<smem>>
      %get3A_337 = arith.constant 7 : index
      %get3A_338 = arith.index_cast %add3A_315 : i32 to index
      %get3A_339 = memref.load %arg1[%get3A_337, %get3A_338] : memref<10x512xf32, #tpu.memory_space<smem>>
      %get3A_340 = arith.constant 8 : index
      %get3A_341 = arith.index_cast %add3A_315 : i32 to index
      %get3A_342 = memref.load %arg1[%get3A_340, %get3A_341] : memref<10x512xf32, #tpu.memory_space<smem>>
      %sub3A_343 = vector.broadcast %get3A_318 : f32 to vector<8x128xf32>
      %sub3A_344 = arith.subf %convert_element_type3A_21, %sub3A_343 : vector<8x128xf32>
      %sub3A_345 = vector.broadcast %get3A_321 : f32 to vector<8x128xf32>
      %sub3A_346 = arith.subf %convert_element_type3A_50, %sub3A_345 : vector<8x128xf32>
      %mul3A_347 = vector.broadcast %get3A_324 : f32 to vector<8x128xf32>
      %mul3A_348 = arith.mulf %mul3A_347, %sub3A_344 : vector<8x128xf32>
      %mul3A_349 = vector.broadcast %get3A_327 : f32 to vector<8x128xf32>
      %mul3A_350 = arith.mulf %mul3A_349, %sub3A_346 : vector<8x128xf32>
      %add3A_351 = arith.addf %mul3A_348, %mul3A_350 : vector<8x128xf32>
      %mul3A_352 = arith.mulf %add3A_351, %sub3A_344 : vector<8x128xf32>
      %mul3A_353 = vector.broadcast %get3A_330 : f32 to vector<8x128xf32>
      %mul3A_354 = arith.mulf %mul3A_353, %sub3A_346 : vector<8x128xf32>
      %mul3A_355 = arith.mulf %mul3A_354, %sub3A_346 : vector<8x128xf32>
      %add3A_356 = arith.addf %mul3A_352, %mul3A_355 : vector<8x128xf32>
      %min3A_357 = arith.constant 0.000000e+00 : f32
      %min3A_358 = vector.broadcast %min3A_357 : f32 to vector<8x128xf32>
      %min3A_359 = arith.minimumf %add3A_356, %min3A_358 : vector<8x128xf32>
      %exp23A_360 = math.exp2 %min3A_359 : vector<8x128xf32>
      %mul3A_361 = vector.broadcast %get3A_333 : f32 to vector<8x128xf32>
      %mul3A_362 = arith.mulf %mul3A_361, %exp23A_360 : vector<8x128xf32>
      %min3A_363 = arith.constant 9.900000e-01 : f32
      %min3A_364 = vector.broadcast %min3A_363 : f32 to vector<8x128xf32>
      %min3A_365 = arith.minimumf %mul3A_362, %min3A_364 : vector<8x128xf32>
      %lt3A_366 = arith.constant 0.00392156886 : f32
      %lt3A_367 = vector.broadcast %lt3A_366 : f32 to vector<8x128xf32>
      %lt3A_368 = arith.cmpf olt, %min3A_365, %lt3A_367 : vector<8x128xf32>
      %jit3A_369 = arith.constant 0.000000e+00 : f32
      %broadcast_in_dim3A_370 = vector.broadcast %jit3A_369 : f32 to vector<8x128xf32>
      %select_n3A_371 = arith.select %lt3A_368, %broadcast_in_dim3A_370, %min3A_365 : vector<8x128xi1>, vector<8x128xf32>
      %mul3A_372 = arith.mulf %select_n3A_371, %sub3A_304 : vector<8x128xf32>
      %sub3A_373 = arith.subf %sub3A_304, %mul3A_372 : vector<8x128xf32>
      %mul3A_374 = vector.broadcast %get3A_336 : f32 to vector<8x128xf32>
      %mul3A_375 = arith.mulf %mul3A_372, %mul3A_374 : vector<8x128xf32>
      %add3A_376 = arith.addf %add3A_307, %mul3A_375 : vector<8x128xf32>
      %mul3A_377 = vector.broadcast %get3A_339 : f32 to vector<8x128xf32>
      %mul3A_378 = arith.mulf %mul3A_372, %mul3A_377 : vector<8x128xf32>
      %add3A_379 = arith.addf %add3A_310, %mul3A_378 : vector<8x128xf32>
      %mul3A_380 = vector.broadcast %get3A_342 : f32 to vector<8x128xf32>
      %mul3A_381 = arith.mulf %mul3A_372, %mul3A_380 : vector<8x128xf32>
      %add3A_382 = arith.addf %add3A_313, %mul3A_381 : vector<8x128xf32>
      %add3A_383 = arith.constant 4 : i32
      %add3A_384 = arith.addi %mul3A_109, %add3A_383 : i32
      %get3A_385 = arith.constant 0 : index
      %get3A_386 = arith.index_cast %add3A_384 : i32 to index
      %get3A_387 = memref.load %arg1[%get3A_385, %get3A_386] : memref<10x512xf32, #tpu.memory_space<smem>>
      %get3A_388 = arith.constant 1 : index
      %get3A_389 = arith.index_cast %add3A_384 : i32 to index
      %get3A_390 = memref.load %arg1[%get3A_388, %get3A_389] : memref<10x512xf32, #tpu.memory_space<smem>>
      %get3A_391 = arith.constant 2 : index
      %get3A_392 = arith.index_cast %add3A_384 : i32 to index
      %get3A_393 = memref.load %arg1[%get3A_391, %get3A_392] : memref<10x512xf32, #tpu.memory_space<smem>>
      %get3A_394 = arith.constant 3 : index
      %get3A_395 = arith.index_cast %add3A_384 : i32 to index
      %get3A_396 = memref.load %arg1[%get3A_394, %get3A_395] : memref<10x512xf32, #tpu.memory_space<smem>>
      %get3A_397 = arith.constant 4 : index
      %get3A_398 = arith.index_cast %add3A_384 : i32 to index
      %get3A_399 = memref.load %arg1[%get3A_397, %get3A_398] : memref<10x512xf32, #tpu.memory_space<smem>>
      %get3A_400 = arith.constant 5 : index
      %get3A_401 = arith.index_cast %add3A_384 : i32 to index
      %get3A_402 = memref.load %arg1[%get3A_400, %get3A_401] : memref<10x512xf32, #tpu.memory_space<smem>>
      %get3A_403 = arith.constant 6 : index
      %get3A_404 = arith.index_cast %add3A_384 : i32 to index
      %get3A_405 = memref.load %arg1[%get3A_403, %get3A_404] : memref<10x512xf32, #tpu.memory_space<smem>>
      %get3A_406 = arith.constant 7 : index
      %get3A_407 = arith.index_cast %add3A_384 : i32 to index
      %get3A_408 = memref.load %arg1[%get3A_406, %get3A_407] : memref<10x512xf32, #tpu.memory_space<smem>>
      %get3A_409 = arith.constant 8 : index
      %get3A_410 = arith.index_cast %add3A_384 : i32 to index
      %get3A_411 = memref.load %arg1[%get3A_409, %get3A_410] : memref<10x512xf32, #tpu.memory_space<smem>>
      %sub3A_412 = vector.broadcast %get3A_387 : f32 to vector<8x128xf32>
      %sub3A_413 = arith.subf %convert_element_type3A_21, %sub3A_412 : vector<8x128xf32>
      %sub3A_414 = vector.broadcast %get3A_390 : f32 to vector<8x128xf32>
      %sub3A_415 = arith.subf %convert_element_type3A_50, %sub3A_414 : vector<8x128xf32>
      %mul3A_416 = vector.broadcast %get3A_393 : f32 to vector<8x128xf32>
      %mul3A_417 = arith.mulf %mul3A_416, %sub3A_413 : vector<8x128xf32>
      %mul3A_418 = vector.broadcast %get3A_396 : f32 to vector<8x128xf32>
      %mul3A_419 = arith.mulf %mul3A_418, %sub3A_415 : vector<8x128xf32>
      %add3A_420 = arith.addf %mul3A_417, %mul3A_419 : vector<8x128xf32>
      %mul3A_421 = arith.mulf %add3A_420, %sub3A_413 : vector<8x128xf32>
      %mul3A_422 = vector.broadcast %get3A_399 : f32 to vector<8x128xf32>
      %mul3A_423 = arith.mulf %mul3A_422, %sub3A_415 : vector<8x128xf32>
      %mul3A_424 = arith.mulf %mul3A_423, %sub3A_415 : vector<8x128xf32>
      %add3A_425 = arith.addf %mul3A_421, %mul3A_424 : vector<8x128xf32>
      %min3A_426 = arith.constant 0.000000e+00 : f32
      %min3A_427 = vector.broadcast %min3A_426 : f32 to vector<8x128xf32>
      %min3A_428 = arith.minimumf %add3A_425, %min3A_427 : vector<8x128xf32>
      %exp23A_429 = math.exp2 %min3A_428 : vector<8x128xf32>
      %mul3A_430 = vector.broadcast %get3A_402 : f32 to vector<8x128xf32>
      %mul3A_431 = arith.mulf %mul3A_430, %exp23A_429 : vector<8x128xf32>
      %min3A_432 = arith.constant 9.900000e-01 : f32
      %min3A_433 = vector.broadcast %min3A_432 : f32 to vector<8x128xf32>
      %min3A_434 = arith.minimumf %mul3A_431, %min3A_433 : vector<8x128xf32>
      %lt3A_435 = arith.constant 0.00392156886 : f32
      %lt3A_436 = vector.broadcast %lt3A_435 : f32 to vector<8x128xf32>
      %lt3A_437 = arith.cmpf olt, %min3A_434, %lt3A_436 : vector<8x128xf32>
      %jit3A_438 = arith.constant 0.000000e+00 : f32
      %broadcast_in_dim3A_439 = vector.broadcast %jit3A_438 : f32 to vector<8x128xf32>
      %select_n3A_440 = arith.select %lt3A_437, %broadcast_in_dim3A_439, %min3A_434 : vector<8x128xi1>, vector<8x128xf32>
      %mul3A_441 = arith.mulf %select_n3A_440, %sub3A_373 : vector<8x128xf32>
      %sub3A_442 = arith.subf %sub3A_373, %mul3A_441 : vector<8x128xf32>
      %mul3A_443 = vector.broadcast %get3A_405 : f32 to vector<8x128xf32>
      %mul3A_444 = arith.mulf %mul3A_441, %mul3A_443 : vector<8x128xf32>
      %add3A_445 = arith.addf %add3A_376, %mul3A_444 : vector<8x128xf32>
      %mul3A_446 = vector.broadcast %get3A_408 : f32 to vector<8x128xf32>
      %mul3A_447 = arith.mulf %mul3A_441, %mul3A_446 : vector<8x128xf32>
      %add3A_448 = arith.addf %add3A_379, %mul3A_447 : vector<8x128xf32>
      %mul3A_449 = vector.broadcast %get3A_411 : f32 to vector<8x128xf32>
      %mul3A_450 = arith.mulf %mul3A_441, %mul3A_449 : vector<8x128xf32>
      %add3A_451 = arith.addf %add3A_382, %mul3A_450 : vector<8x128xf32>
      %add3A_452 = arith.constant 5 : i32
      %add3A_453 = arith.addi %mul3A_109, %add3A_452 : i32
      %get3A_454 = arith.constant 0 : index
      %get3A_455 = arith.index_cast %add3A_453 : i32 to index
      %get3A_456 = memref.load %arg1[%get3A_454, %get3A_455] : memref<10x512xf32, #tpu.memory_space<smem>>
      %get3A_457 = arith.constant 1 : index
      %get3A_458 = arith.index_cast %add3A_453 : i32 to index
      %get3A_459 = memref.load %arg1[%get3A_457, %get3A_458] : memref<10x512xf32, #tpu.memory_space<smem>>
      %get3A_460 = arith.constant 2 : index
      %get3A_461 = arith.index_cast %add3A_453 : i32 to index
      %get3A_462 = memref.load %arg1[%get3A_460, %get3A_461] : memref<10x512xf32, #tpu.memory_space<smem>>
      %get3A_463 = arith.constant 3 : index
      %get3A_464 = arith.index_cast %add3A_453 : i32 to index
      %get3A_465 = memref.load %arg1[%get3A_463, %get3A_464] : memref<10x512xf32, #tpu.memory_space<smem>>
      %get3A_466 = arith.constant 4 : index
      %get3A_467 = arith.index_cast %add3A_453 : i32 to index
      %get3A_468 = memref.load %arg1[%get3A_466, %get3A_467] : memref<10x512xf32, #tpu.memory_space<smem>>
      %get3A_469 = arith.constant 5 : index
      %get3A_470 = arith.index_cast %add3A_453 : i32 to index
      %get3A_471 = memref.load %arg1[%get3A_469, %get3A_470] : memref<10x512xf32, #tpu.memory_space<smem>>
      %get3A_472 = arith.constant 6 : index
      %get3A_473 = arith.index_cast %add3A_453 : i32 to index
      %get3A_474 = memref.load %arg1[%get3A_472, %get3A_473] : memref<10x512xf32, #tpu.memory_space<smem>>
      %get3A_475 = arith.constant 7 : index
      %get3A_476 = arith.index_cast %add3A_453 : i32 to index
      %get3A_477 = memref.load %arg1[%get3A_475, %get3A_476] : memref<10x512xf32, #tpu.memory_space<smem>>
      %get3A_478 = arith.constant 8 : index
      %get3A_479 = arith.index_cast %add3A_453 : i32 to index
      %get3A_480 = memref.load %arg1[%get3A_478, %get3A_479] : memref<10x512xf32, #tpu.memory_space<smem>>
      %sub3A_481 = vector.broadcast %get3A_456 : f32 to vector<8x128xf32>
      %sub3A_482 = arith.subf %convert_element_type3A_21, %sub3A_481 : vector<8x128xf32>
      %sub3A_483 = vector.broadcast %get3A_459 : f32 to vector<8x128xf32>
      %sub3A_484 = arith.subf %convert_element_type3A_50, %sub3A_483 : vector<8x128xf32>
      %mul3A_485 = vector.broadcast %get3A_462 : f32 to vector<8x128xf32>
      %mul3A_486 = arith.mulf %mul3A_485, %sub3A_482 : vector<8x128xf32>
      %mul3A_487 = vector.broadcast %get3A_465 : f32 to vector<8x128xf32>
      %mul3A_488 = arith.mulf %mul3A_487, %sub3A_484 : vector<8x128xf32>
      %add3A_489 = arith.addf %mul3A_486, %mul3A_488 : vector<8x128xf32>
      %mul3A_490 = arith.mulf %add3A_489, %sub3A_482 : vector<8x128xf32>
      %mul3A_491 = vector.broadcast %get3A_468 : f32 to vector<8x128xf32>
      %mul3A_492 = arith.mulf %mul3A_491, %sub3A_484 : vector<8x128xf32>
      %mul3A_493 = arith.mulf %mul3A_492, %sub3A_484 : vector<8x128xf32>
      %add3A_494 = arith.addf %mul3A_490, %mul3A_493 : vector<8x128xf32>
      %min3A_495 = arith.constant 0.000000e+00 : f32
      %min3A_496 = vector.broadcast %min3A_495 : f32 to vector<8x128xf32>
      %min3A_497 = arith.minimumf %add3A_494, %min3A_496 : vector<8x128xf32>
      %exp23A_498 = math.exp2 %min3A_497 : vector<8x128xf32>
      %mul3A_499 = vector.broadcast %get3A_471 : f32 to vector<8x128xf32>
      %mul3A_500 = arith.mulf %mul3A_499, %exp23A_498 : vector<8x128xf32>
      %min3A_501 = arith.constant 9.900000e-01 : f32
      %min3A_502 = vector.broadcast %min3A_501 : f32 to vector<8x128xf32>
      %min3A_503 = arith.minimumf %mul3A_500, %min3A_502 : vector<8x128xf32>
      %lt3A_504 = arith.constant 0.00392156886 : f32
      %lt3A_505 = vector.broadcast %lt3A_504 : f32 to vector<8x128xf32>
      %lt3A_506 = arith.cmpf olt, %min3A_503, %lt3A_505 : vector<8x128xf32>
      %jit3A_507 = arith.constant 0.000000e+00 : f32
      %broadcast_in_dim3A_508 = vector.broadcast %jit3A_507 : f32 to vector<8x128xf32>
      %select_n3A_509 = arith.select %lt3A_506, %broadcast_in_dim3A_508, %min3A_503 : vector<8x128xi1>, vector<8x128xf32>
      %mul3A_510 = arith.mulf %select_n3A_509, %sub3A_442 : vector<8x128xf32>
      %sub3A_511 = arith.subf %sub3A_442, %mul3A_510 : vector<8x128xf32>
      %mul3A_512 = vector.broadcast %get3A_474 : f32 to vector<8x128xf32>
      %mul3A_513 = arith.mulf %mul3A_510, %mul3A_512 : vector<8x128xf32>
      %add3A_514 = arith.addf %add3A_445, %mul3A_513 : vector<8x128xf32>
      %mul3A_515 = vector.broadcast %get3A_477 : f32 to vector<8x128xf32>
      %mul3A_516 = arith.mulf %mul3A_510, %mul3A_515 : vector<8x128xf32>
      %add3A_517 = arith.addf %add3A_448, %mul3A_516 : vector<8x128xf32>
      %mul3A_518 = vector.broadcast %get3A_480 : f32 to vector<8x128xf32>
      %mul3A_519 = arith.mulf %mul3A_510, %mul3A_518 : vector<8x128xf32>
      %add3A_520 = arith.addf %add3A_451, %mul3A_519 : vector<8x128xf32>
      %add3A_521 = arith.constant 6 : i32
      %add3A_522 = arith.addi %mul3A_109, %add3A_521 : i32
      %get3A_523 = arith.constant 0 : index
      %get3A_524 = arith.index_cast %add3A_522 : i32 to index
      %get3A_525 = memref.load %arg1[%get3A_523, %get3A_524] : memref<10x512xf32, #tpu.memory_space<smem>>
      %get3A_526 = arith.constant 1 : index
      %get3A_527 = arith.index_cast %add3A_522 : i32 to index
      %get3A_528 = memref.load %arg1[%get3A_526, %get3A_527] : memref<10x512xf32, #tpu.memory_space<smem>>
      %get3A_529 = arith.constant 2 : index
      %get3A_530 = arith.index_cast %add3A_522 : i32 to index
      %get3A_531 = memref.load %arg1[%get3A_529, %get3A_530] : memref<10x512xf32, #tpu.memory_space<smem>>
      %get3A_532 = arith.constant 3 : index
      %get3A_533 = arith.index_cast %add3A_522 : i32 to index
      %get3A_534 = memref.load %arg1[%get3A_532, %get3A_533] : memref<10x512xf32, #tpu.memory_space<smem>>
      %get3A_535 = arith.constant 4 : index
      %get3A_536 = arith.index_cast %add3A_522 : i32 to index
      %get3A_537 = memref.load %arg1[%get3A_535, %get3A_536] : memref<10x512xf32, #tpu.memory_space<smem>>
      %get3A_538 = arith.constant 5 : index
      %get3A_539 = arith.index_cast %add3A_522 : i32 to index
      %get3A_540 = memref.load %arg1[%get3A_538, %get3A_539] : memref<10x512xf32, #tpu.memory_space<smem>>
      %get3A_541 = arith.constant 6 : index
      %get3A_542 = arith.index_cast %add3A_522 : i32 to index
      %get3A_543 = memref.load %arg1[%get3A_541, %get3A_542] : memref<10x512xf32, #tpu.memory_space<smem>>
      %get3A_544 = arith.constant 7 : index
      %get3A_545 = arith.index_cast %add3A_522 : i32 to index
      %get3A_546 = memref.load %arg1[%get3A_544, %get3A_545] : memref<10x512xf32, #tpu.memory_space<smem>>
      %get3A_547 = arith.constant 8 : index
      %get3A_548 = arith.index_cast %add3A_522 : i32 to index
      %get3A_549 = memref.load %arg1[%get3A_547, %get3A_548] : memref<10x512xf32, #tpu.memory_space<smem>>
      %sub3A_550 = vector.broadcast %get3A_525 : f32 to vector<8x128xf32>
      %sub3A_551 = arith.subf %convert_element_type3A_21, %sub3A_550 : vector<8x128xf32>
      %sub3A_552 = vector.broadcast %get3A_528 : f32 to vector<8x128xf32>
      %sub3A_553 = arith.subf %convert_element_type3A_50, %sub3A_552 : vector<8x128xf32>
      %mul3A_554 = vector.broadcast %get3A_531 : f32 to vector<8x128xf32>
      %mul3A_555 = arith.mulf %mul3A_554, %sub3A_551 : vector<8x128xf32>
      %mul3A_556 = vector.broadcast %get3A_534 : f32 to vector<8x128xf32>
      %mul3A_557 = arith.mulf %mul3A_556, %sub3A_553 : vector<8x128xf32>
      %add3A_558 = arith.addf %mul3A_555, %mul3A_557 : vector<8x128xf32>
      %mul3A_559 = arith.mulf %add3A_558, %sub3A_551 : vector<8x128xf32>
      %mul3A_560 = vector.broadcast %get3A_537 : f32 to vector<8x128xf32>
      %mul3A_561 = arith.mulf %mul3A_560, %sub3A_553 : vector<8x128xf32>
      %mul3A_562 = arith.mulf %mul3A_561, %sub3A_553 : vector<8x128xf32>
      %add3A_563 = arith.addf %mul3A_559, %mul3A_562 : vector<8x128xf32>
      %min3A_564 = arith.constant 0.000000e+00 : f32
      %min3A_565 = vector.broadcast %min3A_564 : f32 to vector<8x128xf32>
      %min3A_566 = arith.minimumf %add3A_563, %min3A_565 : vector<8x128xf32>
      %exp23A_567 = math.exp2 %min3A_566 : vector<8x128xf32>
      %mul3A_568 = vector.broadcast %get3A_540 : f32 to vector<8x128xf32>
      %mul3A_569 = arith.mulf %mul3A_568, %exp23A_567 : vector<8x128xf32>
      %min3A_570 = arith.constant 9.900000e-01 : f32
      %min3A_571 = vector.broadcast %min3A_570 : f32 to vector<8x128xf32>
      %min3A_572 = arith.minimumf %mul3A_569, %min3A_571 : vector<8x128xf32>
      %lt3A_573 = arith.constant 0.00392156886 : f32
      %lt3A_574 = vector.broadcast %lt3A_573 : f32 to vector<8x128xf32>
      %lt3A_575 = arith.cmpf olt, %min3A_572, %lt3A_574 : vector<8x128xf32>
      %jit3A_576 = arith.constant 0.000000e+00 : f32
      %broadcast_in_dim3A_577 = vector.broadcast %jit3A_576 : f32 to vector<8x128xf32>
      %select_n3A_578 = arith.select %lt3A_575, %broadcast_in_dim3A_577, %min3A_572 : vector<8x128xi1>, vector<8x128xf32>
      %mul3A_579 = arith.mulf %select_n3A_578, %sub3A_511 : vector<8x128xf32>
      %sub3A_580 = arith.subf %sub3A_511, %mul3A_579 : vector<8x128xf32>
      %mul3A_581 = vector.broadcast %get3A_543 : f32 to vector<8x128xf32>
      %mul3A_582 = arith.mulf %mul3A_579, %mul3A_581 : vector<8x128xf32>
      %add3A_583 = arith.addf %add3A_514, %mul3A_582 : vector<8x128xf32>
      %mul3A_584 = vector.broadcast %get3A_546 : f32 to vector<8x128xf32>
      %mul3A_585 = arith.mulf %mul3A_579, %mul3A_584 : vector<8x128xf32>
      %add3A_586 = arith.addf %add3A_517, %mul3A_585 : vector<8x128xf32>
      %mul3A_587 = vector.broadcast %get3A_549 : f32 to vector<8x128xf32>
      %mul3A_588 = arith.mulf %mul3A_579, %mul3A_587 : vector<8x128xf32>
      %add3A_589 = arith.addf %add3A_520, %mul3A_588 : vector<8x128xf32>
      %add3A_590 = arith.constant 7 : i32
      %add3A_591 = arith.addi %mul3A_109, %add3A_590 : i32
      %get3A_592 = arith.constant 0 : index
      %get3A_593 = arith.index_cast %add3A_591 : i32 to index
      %get3A_594 = memref.load %arg1[%get3A_592, %get3A_593] : memref<10x512xf32, #tpu.memory_space<smem>>
      %get3A_595 = arith.constant 1 : index
      %get3A_596 = arith.index_cast %add3A_591 : i32 to index
      %get3A_597 = memref.load %arg1[%get3A_595, %get3A_596] : memref<10x512xf32, #tpu.memory_space<smem>>
      %get3A_598 = arith.constant 2 : index
      %get3A_599 = arith.index_cast %add3A_591 : i32 to index
      %get3A_600 = memref.load %arg1[%get3A_598, %get3A_599] : memref<10x512xf32, #tpu.memory_space<smem>>
      %get3A_601 = arith.constant 3 : index
      %get3A_602 = arith.index_cast %add3A_591 : i32 to index
      %get3A_603 = memref.load %arg1[%get3A_601, %get3A_602] : memref<10x512xf32, #tpu.memory_space<smem>>
      %get3A_604 = arith.constant 4 : index
      %get3A_605 = arith.index_cast %add3A_591 : i32 to index
      %get3A_606 = memref.load %arg1[%get3A_604, %get3A_605] : memref<10x512xf32, #tpu.memory_space<smem>>
      %get3A_607 = arith.constant 5 : index
      %get3A_608 = arith.index_cast %add3A_591 : i32 to index
      %get3A_609 = memref.load %arg1[%get3A_607, %get3A_608] : memref<10x512xf32, #tpu.memory_space<smem>>
      %get3A_610 = arith.constant 6 : index
      %get3A_611 = arith.index_cast %add3A_591 : i32 to index
      %get3A_612 = memref.load %arg1[%get3A_610, %get3A_611] : memref<10x512xf32, #tpu.memory_space<smem>>
      %get3A_613 = arith.constant 7 : index
      %get3A_614 = arith.index_cast %add3A_591 : i32 to index
      %get3A_615 = memref.load %arg1[%get3A_613, %get3A_614] : memref<10x512xf32, #tpu.memory_space<smem>>
      %get3A_616 = arith.constant 8 : index
      %get3A_617 = arith.index_cast %add3A_591 : i32 to index
      %get3A_618 = memref.load %arg1[%get3A_616, %get3A_617] : memref<10x512xf32, #tpu.memory_space<smem>>
      %sub3A_619 = vector.broadcast %get3A_594 : f32 to vector<8x128xf32>
      %sub3A_620 = arith.subf %convert_element_type3A_21, %sub3A_619 : vector<8x128xf32>
      %sub3A_621 = vector.broadcast %get3A_597 : f32 to vector<8x128xf32>
      %sub3A_622 = arith.subf %convert_element_type3A_50, %sub3A_621 : vector<8x128xf32>
      %mul3A_623 = vector.broadcast %get3A_600 : f32 to vector<8x128xf32>
      %mul3A_624 = arith.mulf %mul3A_623, %sub3A_620 : vector<8x128xf32>
      %mul3A_625 = vector.broadcast %get3A_603 : f32 to vector<8x128xf32>
      %mul3A_626 = arith.mulf %mul3A_625, %sub3A_622 : vector<8x128xf32>
      %add3A_627 = arith.addf %mul3A_624, %mul3A_626 : vector<8x128xf32>
      %mul3A_628 = arith.mulf %add3A_627, %sub3A_620 : vector<8x128xf32>
      %mul3A_629 = vector.broadcast %get3A_606 : f32 to vector<8x128xf32>
      %mul3A_630 = arith.mulf %mul3A_629, %sub3A_622 : vector<8x128xf32>
      %mul3A_631 = arith.mulf %mul3A_630, %sub3A_622 : vector<8x128xf32>
      %add3A_632 = arith.addf %mul3A_628, %mul3A_631 : vector<8x128xf32>
      %min3A_633 = arith.constant 0.000000e+00 : f32
      %min3A_634 = vector.broadcast %min3A_633 : f32 to vector<8x128xf32>
      %min3A_635 = arith.minimumf %add3A_632, %min3A_634 : vector<8x128xf32>
      %exp23A_636 = math.exp2 %min3A_635 : vector<8x128xf32>
      %mul3A_637 = vector.broadcast %get3A_609 : f32 to vector<8x128xf32>
      %mul3A_638 = arith.mulf %mul3A_637, %exp23A_636 : vector<8x128xf32>
      %min3A_639 = arith.constant 9.900000e-01 : f32
      %min3A_640 = vector.broadcast %min3A_639 : f32 to vector<8x128xf32>
      %min3A_641 = arith.minimumf %mul3A_638, %min3A_640 : vector<8x128xf32>
      %lt3A_642 = arith.constant 0.00392156886 : f32
      %lt3A_643 = vector.broadcast %lt3A_642 : f32 to vector<8x128xf32>
      %lt3A_644 = arith.cmpf olt, %min3A_641, %lt3A_643 : vector<8x128xf32>
      %jit3A_645 = arith.constant 0.000000e+00 : f32
      %broadcast_in_dim3A_646 = vector.broadcast %jit3A_645 : f32 to vector<8x128xf32>
      %select_n3A_647 = arith.select %lt3A_644, %broadcast_in_dim3A_646, %min3A_641 : vector<8x128xi1>, vector<8x128xf32>
      %mul3A_648 = arith.mulf %select_n3A_647, %sub3A_580 : vector<8x128xf32>
      %sub3A_649 = arith.subf %sub3A_580, %mul3A_648 : vector<8x128xf32>
      %mul3A_650 = vector.broadcast %get3A_612 : f32 to vector<8x128xf32>
      %mul3A_651 = arith.mulf %mul3A_648, %mul3A_650 : vector<8x128xf32>
      %add3A_652 = arith.addf %add3A_583, %mul3A_651 : vector<8x128xf32>
      %mul3A_653 = vector.broadcast %get3A_615 : f32 to vector<8x128xf32>
      %mul3A_654 = arith.mulf %mul3A_648, %mul3A_653 : vector<8x128xf32>
      %add3A_655 = arith.addf %add3A_586, %mul3A_654 : vector<8x128xf32>
      %mul3A_656 = vector.broadcast %get3A_618 : f32 to vector<8x128xf32>
      %mul3A_657 = arith.mulf %mul3A_648, %mul3A_656 : vector<8x128xf32>
      %add3A_658 = arith.addf %add3A_589, %mul3A_657 : vector<8x128xf32>
      scf.yield %sub3A_649, %add3A_652, %add3A_655, %add3A_658 : vector<8x128xf32>, vector<8x128xf32>, vector<8x128xf32>, vector<8x128xf32>
    }
    %scan3A_74 = arith.constant 64 : i32
    %swap3A = arith.constant 0 : index
    %swap3A_75 = arith.constant 0 : index
    %swap3A_76 = arith.constant 0 : index
    %swap3A_77 = vector.load %arg3[%swap3A, %swap3A_75, %swap3A_76] : memref<4x8x128xf32, #tpu.memory_space<vmem>>, vector<1x8x128xf32>
    %swap3A_78 = vector.shape_cast %swap3A_77 : vector<1x8x128xf32> to vector<8x128xf32>
    %swap3A_79 = vector.shape_cast %scan3A_73#0 : vector<8x128xf32> to vector<1x8x128xf32>
    tpu.vector_store %arg3[%swap3A, %swap3A_75, %swap3A_76], %swap3A_79 {strides = array<i32>} : memref<4x8x128xf32, #tpu.memory_space<vmem>>, vector<1x8x128xf32>,
    %swap3A_80 = arith.constant 1 : index
    %swap3A_81 = arith.constant 0 : index
    %swap3A_82 = arith.constant 0 : index
    %swap3A_83 = vector.load %arg3[%swap3A_80, %swap3A_81, %swap3A_82] : memref<4x8x128xf32, #tpu.memory_space<vmem>>, vector<1x8x128xf32>
    %swap3A_84 = vector.shape_cast %swap3A_83 : vector<1x8x128xf32> to vector<8x128xf32>
    %swap3A_85 = vector.shape_cast %scan3A_73#1 : vector<8x128xf32> to vector<1x8x128xf32>
    tpu.vector_store %arg3[%swap3A_80, %swap3A_81, %swap3A_82], %swap3A_85 {strides = array<i32>} : memref<4x8x128xf32, #tpu.memory_space<vmem>>, vector<1x8x128xf32>,
    %swap3A_86 = arith.constant 2 : index
    %swap3A_87 = arith.constant 0 : index
    %swap3A_88 = arith.constant 0 : index
    %swap3A_89 = vector.load %arg3[%swap3A_86, %swap3A_87, %swap3A_88] : memref<4x8x128xf32, #tpu.memory_space<vmem>>, vector<1x8x128xf32>
    %swap3A_90 = vector.shape_cast %swap3A_89 : vector<1x8x128xf32> to vector<8x128xf32>
    %swap3A_91 = vector.shape_cast %scan3A_73#2 : vector<8x128xf32> to vector<1x8x128xf32>
    tpu.vector_store %arg3[%swap3A_86, %swap3A_87, %swap3A_88], %swap3A_91 {strides = array<i32>} : memref<4x8x128xf32, #tpu.memory_space<vmem>>, vector<1x8x128xf32>,
    %swap3A_92 = arith.constant 3 : index
    %swap3A_93 = arith.constant 0 : index
    %swap3A_94 = arith.constant 0 : index
    %swap3A_95 = vector.load %arg3[%swap3A_92, %swap3A_93, %swap3A_94] : memref<4x8x128xf32, #tpu.memory_space<vmem>>, vector<1x8x128xf32>
    %swap3A_96 = vector.shape_cast %swap3A_95 : vector<1x8x128xf32> to vector<8x128xf32>
    %swap3A_97 = vector.shape_cast %scan3A_73#3 : vector<8x128xf32> to vector<1x8x128xf32>
    tpu.vector_store %arg3[%swap3A_92, %swap3A_93, %swap3A_94], %swap3A_97 {strides = array<i32>} : memref<4x8x128xf32, #tpu.memory_space<vmem>>, vector<1x8x128xf32>,
    %eq3A_98 = arith.constant 19 : i32
    %eq3A_99 = arith.cmpi eq, %arg0, %eq3A_98 : i32
    %convert_element_type3A_100 = arith.extui %eq3A_99 : i1 to i32
    %cond3A_101 = arith.constant 0 : i32
    %cond3A_102 = arith.cmpi ne, %convert_element_type3A_100, %cond3A_101 : i32
    scf.if %cond3A_102 {
      %swap3A_103 = arith.constant 0 : index
      %swap3A_104 = arith.constant 0 : index
      %swap3A_105 = arith.constant 0 : index
      %swap3A_106 = vector.load %arg2[%swap3A_103, %swap3A_104, %swap3A_105] : memref<3x8x128xf32, #tpu.memory_space<vmem>>, vector<1x8x128xf32>
      %swap3A_107 = vector.shape_cast %swap3A_106 : vector<1x8x128xf32> to vector<8x128xf32>
      %swap3A_108 = vector.shape_cast %scan3A_73#1 : vector<8x128xf32> to vector<1x8x128xf32>
      tpu.vector_store %arg2[%swap3A_103, %swap3A_104, %swap3A_105], %swap3A_108 {strides = array<i32>} : memref<3x8x128xf32, #tpu.memory_space<vmem>>, vector<1x8x128xf32>,
      %swap3A_109 = arith.constant 1 : index
      %swap3A_110 = arith.constant 0 : index
      %swap3A_111 = arith.constant 0 : index
      %swap3A_112 = vector.load %arg2[%swap3A_109, %swap3A_110, %swap3A_111] : memref<3x8x128xf32, #tpu.memory_space<vmem>>, vector<1x8x128xf32>
      %swap3A_113 = vector.shape_cast %swap3A_112 : vector<1x8x128xf32> to vector<8x128xf32>
      %swap3A_114 = vector.shape_cast %scan3A_73#2 : vector<8x128xf32> to vector<1x8x128xf32>
      tpu.vector_store %arg2[%swap3A_109, %swap3A_110, %swap3A_111], %swap3A_114 {strides = array<i32>} : memref<3x8x128xf32, #tpu.memory_space<vmem>>, vector<1x8x128xf32>,
      %swap3A_115 = arith.constant 2 : index
      %swap3A_116 = arith.constant 0 : index
      %swap3A_117 = arith.constant 0 : index
      %swap3A_118 = vector.load %arg2[%swap3A_115, %swap3A_116, %swap3A_117] : memref<3x8x128xf32, #tpu.memory_space<vmem>>, vector<1x8x128xf32>
      %swap3A_119 = vector.shape_cast %swap3A_118 : vector<1x8x128xf32> to vector<8x128xf32>
      %swap3A_120 = vector.shape_cast %scan3A_73#3 : vector<8x128xf32> to vector<1x8x128xf32>
      tpu.vector_store %arg2[%swap3A_115, %swap3A_116, %swap3A_117], %swap3A_120 {strides = array<i32>} : memref<3x8x128xf32, #tpu.memory_space<vmem>>, vector<1x8x128xf32>,
    } else {
    }
    return
  }
  func.func @transform_0(%arg0: i32) -> (i32, i32) {
    %c0_i32 = arith.constant 0 : i32
    %c0_i32_0 = arith.constant 0 : i32
    return %c0_i32, %arg0 : i32, i32
  }
  func.func @transform_1(%arg0: i32) -> (i32, i32, i32) {
    %c0_i32 = arith.constant 0 : i32
    %c0_i32_0 = arith.constant 0 : i32
    %c0_i32_1 = arith.constant 0 : i32
    %c0_i32_2 = arith.constant 0 : i32
    return %c0_i32, %c0_i32_0, %c0_i32_1 : i32, i32, i32
  }
}

</mosaic_0001>

<sc_bundles>
// kernel: gather_offload_async_start
scs
__scs_entry_jumppad:
0x0: {  	(pc) =	sbr.rel $0x88, $3  }
0x1: {  	(tag) =	ssettag $0x0;
	lr =	simm.s32 $0x1  }
0x2: {  	[smem:$0x3F9A] =	sst lr;
	_ =	strace $0xD0000000  }
0x3: {  	_ = 	snop  }
0x4: {  	_ = 	snop  }
0x5: {  	_ = 	snop  }
0x6: {  	_ = 	snop  }
0x7: {  	_ = 	snop  }
__scs_overlays_trampoline_lowered:
0x8: {  	[smem:$0x3FA9] =	sst s0  }
0x9: {  	[smem:$0x3FAA] =	sst s1  }
0xa: {  	[smem:$0x3FAB] =	sst s2  }
0xb: {  	[smem:$0x3FAC] =	sst s3  }
0xc: {  	[smem:$0x3FAD] =	sst s4  }
0xd: {  	[smem:$0x3FAE] =	sst s5  }
0xe: {  	[smem:$0x3FAF] =	sst s6  }
0xf: {  	[smem:$0x3FB0] =	sst s7  }
0x10: {  	[smem:$0x3FB1] =	sst s8  }
0x11: {  	[smem:$0x3FB2] =	sst s9;
	s0 =	simm.s32 @!p0 $0x0  }
0x12: {  	s1 =	sld [smem:$0x3F98];
	s0 =	simm.s32 @p0 $0x1  }
0x13: {  	[smem:$0x3FB3] =	sst s0;
	s0 =	simm.s32 @!p1 $0x0  }
0x14: {  	s2 =	sld [smem:$0x3F97];
	s0 =	simm.s32 @p1 $0x1  }
0x15: {  	[smem:$0x3FB4] =	sst s0;
	s0 =	simm.s32 @!p2 $0x0  }
0x16: {  	s3 =	sld [smem:$0x3FDB];
	s0 =	simm.s32 @p2 $0x1  }
0x17: {  	s4 =	simm.s32 $0x1BF5;
	[smem:$0x3FB6] =	sst s0  }
0x18: {  	s0 =	sld [smem:$0x3F99];
	_ =	swait.ge [sflag:s4], $0x0  }
0x19: {  	s7 =	sld [smem:$0x3F9A]  }
0x1a: {  	s8 =	sadd.s32 $0xFFFFE003, lr  }
0x1b: {  	s9 =	sadd.s32 $0xFFFFFEF7, lr;
	s5 =	simm.s32 $0xFFFFFFFF;
	p2 =	slt.u32 s8, $0xFFFFF086  }
0x1c: {  	p1 =	slt.u32 s9, $0xF7A;
	s5 =	simm.s32 @!p2 $0x0  }
0x1d: {  	s5 =	simm.s32 @p1 $0x1;
	p0 =	seq.s32 s7, s2  }
0x1e: {  	s7 =	smul.u32 @!p0 $0xF7A, s2;
	p2 =	seq.s32 @!p0 s5, $0x0  }
0x1f: {  	s9 =	smul.u32 $0xF7A, s1;
	s8 =	simm.s32 @!p0 $0x1BF5;
	p2 =	por !p2, p0  }
0x20: {  	[sflag:s8] =	ssyncset.s32 @!p0 $0xFFFFF086;
	s6 =	sadd.s32 @!p0 s3, s7;
	s7 =	simm.s32 @!p0 $0x108  }
0x21: {  	s3 =	sadd.s32 s3, s9;
	s6 =	sadd.s32 @!p0 $0x88, s6;
	s7 =	simm.s32 @p2 $0x1082  }
0x22: {  	[simem:s7], [sflag:s8] =	dma.local @!p0 [hbm:s6], $0xF7A  }
0x23: {  	s9 =	sor.u32 $0xD0000000, s2;
	s6 =	simm.s32 $0x108;
	_ =	swait.ge @!p0 [sflag:s8], $0x0  }
0x24: {  	s3 =	sadd.s32 $0x88, s3;
	s6 =	simm.s32 @!p1 $0x1082;
	[sflag:s4] =	ssyncset.s32 $0xFFFFF086  }
0x25: {  	[simem:s6], [sflag:s4] =	dma.local [hbm:s3], $0xF7A  }
0x26: {  	[smem:$0x3F9A] =	sst s1;
	(tag) =	ssettag s2;
	_ =	strace s9  }
0x27: {  	s1 =	sld [smem:$0x3FAA]  }
0x28: {  	s2 =	sld [smem:$0x3FAB]  }
0x29: {  	s4 =	sld [smem:$0x3FAD]  }
0x2a: {  	p0 =	seq.s32 s5, $0x0;
	s5 =	sld [smem:$0x3FAE]  }
0x2b: {  	s6 =	sld [smem:$0x3FAF]  }
0x2c: {  	s7 =	sld [smem:$0x3FB0]  }
0x2d: {  	s3 =	simm.s32 $0x108;
	s8 =	sld [smem:$0x3FB1]  }
0x2e: {  	s3 =	simm.s32 @!p0 $0x1082;
	s9 =	sld [smem:$0x3FB2]  }
0x2f: {  	lr =	sadd.s32 s0, s3;
	s0 =	sld [smem:$0x3FA9]  }
0x30: {  	s3 =	sld [smem:$0x3FAC]  }
0x31: {  	[smem:$0x3FB5] =	sst s10  }
0x32: {  	s10 =	sld [smem:$0x3FB3];
	_ =	sdelay $0x3  }
0x33: {  	p0 =	seq.s32 s10, $0x1;
	s10 =	sld [smem:$0x3FB5];
	_ =	sdelay $0x3  }
0x34: {  	[smem:$0x3FB5] =	sst s10  }
0x35: {  	s10 =	sld [smem:$0x3FB4];
	_ =	sdelay $0x3  }
0x36: {  	p1 =	seq.s32 s10, $0x1;
	s10 =	sld [smem:$0x3FB5];
	_ =	sdelay $0x3  }
0x37: {  	[smem:$0x3FB5] =	sst s10  }
0x38: {  	s10 =	sld [smem:$0x3FB6]  }
0x39: {  	_ = 	snop;
	(pc) =	sbr.ind lr, $3  }
0x3a: {  	_ = 	snop  }
0x3b: {  	_ = 	snop  }
0x3c: {  	p2 =	seq.s32 s10, $0x1;
	s10 =	sld [smem:$0x3FB5]  }
0x3d: {  	_ =	shalt  }
0x3e: {  	_ =	shalt  }
0x3f: {  	_ =	shalt  }
0x40: {  	_ =	shalt  }
0x41: {  	_ =	shalt  }
0x42: {  	_ =	shalt  }
0x43: {  	_ =	shalt  }
0x44: {  	_ =	shalt  }
0x45: {  	_ =	shalt  }
0x46: {  	_ =	shalt  }
0x47: {  	_ =	shalt  }
0x48: {  	_ =	shalt  }
0x49: {  	_ =	shalt  }
0x4a: {  	_ =	shalt  }
0x4b: {  	_ =	shalt  }
0x4c: {  	_ =	shalt  }
0x4d: {  	_ =	shalt  }
0x4e: {  	_ =	shalt  }
0x4f: {  	_ =	shalt  }
0x50: {  	_ =	shalt  }
0x51: {  	_ =	shalt  }
0x52: {  	_ =	shalt  }
0x53: {  	_ =	shalt  }
0x54: {  	_ =	shalt  }
0x55: {  	_ =	shalt  }
0x56: {  	_ =	shalt  }
0x57: {  	_ =	shalt  }
0x58: {  	_ =	shalt  }
0x59: {  	_ =	shalt  }
0x5a: {  	_ =	shalt  }
0x5b: {  	_ =	shalt  }
0x5c: {  	_ =	shalt  }
0x5d: {  	_ =	shalt  }
0x5e: {  	_ =	shalt  }
0x5f: {  	_ =	shalt  }
0x60: {  	_ =	shalt  }
0x61: {  	_ =	shalt  }
0x62: {  	_ =	shalt  }
0x63: {  	_ =	shalt  }
0x64: {  	_ =	shalt  }
0x65: {  	_ =	shalt  }
0x66: {  	_ =	shalt  }
0x67: {  	_ =	shalt  }
0x68: {  	_ =	shalt  }
0x69: {  	_ =	shalt  }
0x6a: {  	_ =	shalt  }
0x6b: {  	_ =	shalt  }
0x6c: {  	_ =	shalt  }
0x6d: {  	_ =	shalt  }
0x6e: {  	_ =	shalt  }
0x6f: {  	_ =	shalt  }
0x70: {  	_ =	shalt  }
0x71: {  	_ =	shalt  }
0x72: {  	_ =	shalt  }
0x73: {  	_ =	shalt  }
0x74: {  	_ =	shalt  }
0x75: {  	_ =	shalt  }
0x76: {  	_ =	shalt  }
0x77: {  	_ =	shalt  }
0x78: {  	_ =	shalt  }
0x79: {  	_ =	shalt  }
0x7a: {  	_ =	shalt  }
0x7b: {  	_ =	shalt  }
0x7c: {  	_ =	shalt  }
0x7d: {  	_ =	shalt  }
0x7e: {  	_ =	shalt  }
0x7f: {  	_ =	shalt  }
0x80: {  	_ =	shalt  }
0x81: {  	_ =	shalt  }
0x82: {  	_ =	shalt  }
0x83: {  	_ =	shalt  }
0x84: {  	_ =	shalt  }
0x85: {  	_ =	shalt  }
0x86: {  	_ =	shalt  }
0x87: {  	_ =	shalt  }
.Lfunc_end0:
.L_simem_size_0:
called_computation_lowered:
.L_overlay_start_0:
0x88: {  	s2 =	sld [smem:$0x3FD9]  }
0x89: {  	s3 =	sld [smem:$0x3FFE];
	_ =	sdelay $0x1  }
0x8a: {  	s1 =	srdreg.scid  }
0x8b: {  	s0 =	sand.u32 $0x1, s1  }
0x8c: {  	s14 =	sshll.u32 s0, $0xA;
	s2 =	sadd.s32 s3, s2  }
0x8d: {  	s2 =	sadd.s32 s2, s14  }
0x8e: {  	[smem:$0x3FC1] =	sst s2  }
0x8f: {  	_ = 	snop  }
0x90: {  	s2 =	sld [smem:$0x3FD0];
	_ =	sdelay $0x2  }
0x91: {  	s15 =	simm.s32 $0xA;
	s4 =	simm.s32 $0x10  }
0x92: {  	[smem:s4], [sflag:s15] =	dma.local [hbm:s2], $0x1  }
0x93: {  	_ =	swait.eq [sflag:s15], $0x1  }
0x94: {  	[sflag:s15] =	ssyncset.done $0x0  }
0x95: {  	[sflag:s15] =	ssyncadd.s32 $0xFFFFFFFF  }
0x96: {  	s16 =	sld [smem:$0x10];
	(tm) =	ssettm $0x1  }
0x97: {  	s17 =	sld [smem:$0x3FFB];
	_ =	sdelay $0x3  }
0x98: {  	_ =	strace s17  }
0x99: {  	s3 =	sld [smem:$0x3FFC];
	_ =	sdelay $0x3  }
0x9a: {  	_ =	strace s3  }
0x9b: {  	s3 =	sld [smem:$0x3FFD];
	_ =	sdelay $0x3  }
0x9c: {  	_ =	strace s3  }
0x9d: {  	_ =	strace $0x8FFFFFFF  }
0x9e: {  	s18 =	sld [smem:$0x3FDB];
	_ =	sdelay $0x1  }
0x9f: {  	s19 =	simm.s32 $_scs_section_size  }
0xa0: {  	s5 =	simm.s32 $_size__tile_overlayer_lowered;
	s6 =	simm.s32 $_tile_overlayer_lowered  }
0xa1: {  	s22 =	simm.s32 $0x1BFF;
	s21 =	sshll.u32 s6, $0x1;
	s3 =	sadd.s32 s19, s18  }
0xa2: {  	s7 =	simm.s32 $0x0;
	s20 =	sshll.u32 s5, $0x1;
	s5 =	sadd.s32 s21, s3  }
0xa3: {  	[timem:s7], [sflag:s22] =	dma.local [hbm:s5], s20  }
0xa4: {  	_ =	swait.ge [sflag:s22], s20  }
0xa5: {  	s4 =	ssub.s32 $0x0, s20;
	[sflag:s22] =	ssyncset.done $0x0  }
0xa6: {  	[sflag:s22] =	ssyncadd.s32 s4;
	_ =	sdelay $0x1  }
0xa7: {  	s23 =	simm.s32 $0x1B8B  }
0xa8: {  	_ =	swait.ge [sflag:s23], $0x1  }
0xa9: {  	[sflag:s23] =	ssyncset.done $0x0  }
0xaa: {  	s25 =	simm.s32 $0x1B8E;
	s24 =	sld [smem:$0x3FFE];
	[sflag:s23] =	ssyncadd.s32 $0xFFFFFFFF  }
0xab: {  	s26 =	simm.s32 $execute0_lowered;
	[smem:$0x3FD2] =	sst s25  }
0xac: {  	s5 =	sshll.u32 s26, $0x1;
	_ =	strace $0x80000046;
	[dreg:$0x1] =	wrdreg $0xFFFFFFFF  }
0xad: {  	s28 =	simm.s32 $_size_execute0_lowered;
	s3 =	sadd.s32 s3, s5;
	[dreg:$0x0] =	wrdreg $0x0  }
0xae: {  	s5 =	sshll.u32 s28, $0x1;
	[dreg:$0x2] =	wrdreg s3  }
0xaf: {  	[dreg:$0x3] =	wrdreg s5  }
0xb0: {  	[dreg:$0x4] =	wrdreg $0xC0  }
0xb1: {  	_ =	task [dreg:s7], $0x5FFFF  }
0xb2: {  	[dreg:$0x1] =	wrdreg $0xFFFFFFFF  }
0xb3: {  	[dreg:$0x0] =	wrdreg $0x60  }
0xb4: {  	[dreg:$0x2] =	wrdreg s24  }
0xb5: {  	[dreg:$0x3] =	wrdreg s16  }
0xb6: {  	[dreg:$0x4] =	wrdreg $0x9  }
0xb7: {  	_ =	task.clear_ibuf [dreg:s7], $0x5FFFF;
	_ =	strace $0x90000046  }
0xb8: {  	s29 =	simm.s32 $0x9;
	_ =	strace $0x80000048  }
0xb9: {  	_ =	swait.ge [sflag:s29], $0x1  }
0xba: {  	[sflag:s29] =	ssyncadd.s32 $0xFFFFFFFF  }
0xbb: {  	_ =	strace $0x90000048  }
0xbc: {  	_ =	sfence  }
0xbd: {  	s30 =	sld [smem:$0x0];
	_ =	sdelay $0x2  }
0xbe: {  	s31 =	sshll.u32 s1, $0xD;
	s1 =	sshrl.u32 s1, $0x2  }
0xbf: {  	s3 =	sand.u32 $0x4000, s31;
	s1 =	sadd.s32 s1, s30  }
0xc0: {  	s0 =	sor.u32 s3, s0;
	s1 =	sshll.u32 s1, $0x11  }
0xc1: {  	s0 =	sor.u32 s1, s0  }
0xc2: {  	s0 =	sadd.s32 $0x8F2B, s0  }
0xc3: {  	[sflag:s0] =	ssyncadd.remote.s32 $0x1  }
0xc4: {  	_ =	sfence.sel $0xFFFF  }
0xc5: {  	[dreg:$0x0] =	wrdreg $0xFFFFFFFF;
	(pc) =	sbr.abs _section_cstart, $3  }
0xc6: {  	[dreg:$0x1] =	wrdreg $0xFFFFFFFF  }
0xc7: {  	_ =	task.clear_ibuf [dreg:s7], $0x2FFFF;
	_ =	strace $0x9FFFFFFF  }
0xc8: {  	(tm) =	ssettm $0x7FFFFFFF  }
0xc9: {  	_ =	shalt  }
tec
execute0_lowered:
.L_overlay_start_1:
0x0: {  	(tag) =	ssettag $0x1  }
0x1: {  	s0 =	srdreg.scid  }
0x2: {  	s1 =	sshll.u32 s0, $0x4  }
0x3: {  	s0 =	stileid.u32;
	s1 =	sand.u32 $0x10, s1  }
0x4: {  	s1 =	sor.u32 s0, s1  }
0x5: {  	s3 =	rddreg [dreg:$0x0];
	s2 =	smin.u32 s1, $0x8  }
0x6: {  	p0 =	slt.u32 s1, $0x8;
	s2 =	sadd.s32 s1, s2;
	s1 =	simm.s32 $0x200  }
0x7: {  	s4 =	rddreg [dreg:$0x1];
	s2 =	sshll.u32 s2, $0x8;
	s1 =	simm.s32 @!p0 $0x100  }
0x8: {  	s6 =	simm.s32 $0x1;
	s7 =	simm.s32 $0x2;
	s1 =	sadd.s32 s1, s2  }
0x9: {  	s10 =	simm.s32 $0x3;
	s13 =	simm.s32 $0x0;
	s5 =	smin.u32 s1, $0x2800  }
.Ltmp0:
0xa: {  	s12 =	simm.s32 $0x0;
	s8 =	ssub.s32 s5, s2;
	(pc) =	sbr.rel .LBB2_1-.Ltmp0, $4  }
0xb: {  	s1 =	rddreg [dreg:$0x2];
	_ =	strace $0x80000047;
	p0 =	sgt.s32 s8, $0x0  }
0xc: {  	s9 =	sadd.s32 $0x28000, s3;
	[sflag:s6] =	ssyncpa.u1 $0x0;
	s8 =	simm.s32 @!p0 $0x0  }
0xd: {  	s11 =	smov.u32 s2;
	[sflag:s7] =	ssyncpa.u1 $0x0;
	s8 =	sshrl.u32 s8, $0x8  }
0xe: {  	vm0 =	vmmov $0xff;
	vm1 =	vcmask $0x3F20;
	[sflag:s10] =	ssyncpa.u1 $0x0;
	p0 =	por $0x0, $0x0;
	s10 =	sadd.s32 $0x1, s8  }
.LBB2_6:
0xf: {  	[hbm:s17] =	stream.linear.scatter [tilespmem:s14], [sflag:$0x3], $0x400, $0x38;
	[tilespmem:$0x10200] =	vst v63  }
.LBB2_7:
0x10: {  	s13 =	sadd.s32 $0x100, s11  }
0x11: {  	s15 =	smov.u32 s2;
	p2 =	slt.s32 s13, s5  }
0x12: {  	s15 =	smov.u32 @p2 s13;
	p2 =	sne.s32 s12, s10  }
.Ltmp1:
0x13: {  	p1 =	slt.u32 s12, $0x2;
	(pc) =	sbr.rel @!p2 .LBB2_8-.Ltmp1, $4  }
0x14: {  	s14 =	simm.s32 @!p1 $0x3  }
0x15: {  	s16 =	sadd.s32 $0x1, s12;
	_ =	swait.ge @!p1 [sflag:s14], $0x8000  }
0x16: {  	p0 =	por !p0, !p0;
	s13 =	smov.u32 s11;
	[sflag:s14] =	ssyncset.done @!p1 $0x0  }
0x17: {  	s12 =	smov.u32 s16;
	s11 =	smov.u32 s15;
	[sflag:s14] =	ssyncadd.s32 @!p1 $0xFFFF8000  }
.LBB2_1:
0x18: {  	p1 =	sge.u32 s12, s8  }
0x19: {  	s14 =	sxor.u32 @!p1 $0xFFFFFFFF, s12  }
0x1a: {  	s31 =	sadd.s32 $0xFFFFFFFF, s12;
	s15 =	sshrl.u32 @!p1 s11, $0x3;
	s14 =	sshll.u32 @!p1 s14, $0x8  }
0x1b: {  	s16 =	sand.u32 @!p1 $0x7, s11;
	s15 =	sadd.s32 @!p1 s4, s15;
	s14 =	sand.u32 @!p1 $0x100, s14  }
0x1c: {  	[tilespmem:s14], [sflag:$0x2] =	stream.linear.gather @!p1 [hbm4b:s15+s16], $0x100, $0x38;
	[tilespmem:$0x10200] =	vst v63  }
0x1d: {  	p1 =	sge.u32 s31, s8  }
.Ltmp2:
0x1e: {  	_ = 	snop;
	(pc) =	sbr.rel @p1 .LBB2_7-.Ltmp2, $1  }
0x1f: {  	_ =	sdelay $0x3  }
0x20: {  	s14 =	simm.s32 $0x1  }
0x21: {  	_ =	swait.ge [sflag:s7], $0x100;
	s14 =	simm.s32 @!p0 $0x0  }
0x22: {  	[sflag:s7] =	ssyncset.done $0x0;
	s16 =	sshll.u32 s14, $0x8  }
0x23: {  	[sflag:s7] =	ssyncadd.s32 $0xFFFFFF00;
	s15 =	sadd.s32 $0x0, s16  }
0x24: {  	v0 =	vld.msk [tilespmem:s15+$0x0 ss:$0x1], $0xffff;
	_ =	sdelay $0x4  }
0x25: {  	vm2 =	vgt.s32 v0, $0x0  }
0x26: {  	v0 =	vnsel vm2, $0x0, v0  }
0x27: {  	v0 =	vmin.u32 v0, $0x27FF  }
0x28: {  	v0 =	vshll.u32 v0, $0x4;
	_ =	sdelay $0x2  }
0x29: {  	s14 =	sshll.u32 s14, $0xF  }
0x2a: {  	s14 =	sor.u32 $0x200, s14  }
0x2b: {  	[tilespmem:s14], [sflag:$0x1] =	stream.indirect_vreg.gather [hbm:s3], $0x80, v0, vm0, $0x38;
	[tilespmem:$0x10200] =	vst v63  }
0x2c: {  	s17 =	sadd.s32 $0x10, s16;
	s15 =	sadd.s32 $0x400, s14  }
0x2d: {  	[tilespmem:s15], [sflag:$0x1] =	stream.indirect_vreg.gather [hbm:s3], $0x80, v0, vm1, $0x38;
	[tilespmem:$0x10200] =	vst v63  }
0x2e: {  	s18 =	simm.s32 $0x80;
	v0 =	vld.msk [tilespmem:s17+$0x0 ss:$0x1], $0xffff;
	s17 =	smov.u32 s14  }
.LBB2_3:
0x2f: {  	p1 =	sne.s32 s18, $0x3C0;
	_ =	sdelay $0x4  }
0x30: {  	vm2 =	vgt.s32 v0, $0x0  }
0x31: {  	v0 =	vnsel vm2, $0x0, v0  }
0x32: {  	v0 =	vmin.u32 v0, $0x27FF  }
0x33: {  	v0 =	vshll.u32 v0, $0x4;
	_ =	sdelay $0x3  }
.Ltmp3:
0x34: {  	s19 =	sshra.s32 s18, $0x2;
	s17 =	sadd.s32 $0x800, s17;
	(pc) =	sbr.rel @p1 .LBB2_3-.Ltmp3, $4  }
0x35: {  	[tilespmem:s17], [sflag:$0x1] =	stream.indirect_vreg.gather [hbm:s3], $0x80, v0, vm0, $0x38;
	[tilespmem:$0x10200] =	vst v63  }
0x36: {  	s19 =	sadd.s32 s19, s16;
	s20 =	sadd.s32 $0x400, s17  }
0x37: {  	[tilespmem:s20], [sflag:$0x1] =	stream.indirect_vreg.gather [hbm:s3], $0x80, v0, vm1, $0x38;
	[tilespmem:$0x10200] =	vst v63  }
0x38: {  	s18 =	sadd.s32 $0x40, s18;
	v0 =	vld.msk [tilespmem:s19+$0x0 ss:$0x1], $0xffff  }
0x39: {  	_ =	sdelay $0x3  }
0x3a: {  	vm2 =	vgt.s32 v0, $0x0  }
0x3b: {  	v0 =	vnsel vm2, $0x0, v0  }
0x3c: {  	v0 =	vmin.u32 v0, $0x27FF  }
0x3d: {  	v0 =	vshll.u32 v0, $0x4;
	_ =	sdelay $0x3  }
0x3e: {  	s16 =	sadd.s32 $0x800, s17  }
0x3f: {  	[tilespmem:s16], [sflag:$0x1] =	stream.indirect_vreg.gather [hbm:s3], $0x80, v0, vm0, $0x38;
	[tilespmem:$0x10200] =	vst v63  }
0x40: {  	s16 =	sadd.s32 $0x400, s16  }
0x41: {  	[tilespmem:s16], [sflag:$0x1] =	stream.indirect_vreg.gather [hbm:s3], $0x80, v0, vm1, $0x38;
	[tilespmem:$0x10200] =	vst v63  }
0x42: {  	s13 =	sshll.u32 s13, $0x4;
	_ =	swait.ge [sflag:s6], $0x8000  }
0x43: {  	s13 =	sadd.s32 s13, s9;
	[sflag:s6] =	ssyncset.done $0x0  }
0x44: {  	s17 =	sadd.s32 $0x0, s13;
	s16 =	simm.s32 $0x80;
	[sflag:s6] =	ssyncadd.s32 $0xFFFF8000  }
.LBB2_5:
0x45: {  	[hbm:s17] =	stream.linear.scatter [tilespmem:s14], [sflag:$0x3], $0x400, $0x38;
	[tilespmem:$0x10200] =	vst v63  }
0x46: {  	s17 =	smov.u32 s16;
	s14 =	smov.u32 s15;
	p1 =	sne.s32 s16, $0xF80  }
.Ltmp4:
0x47: {  	s16 =	sadd.s32 $0x80, s16;
	(pc) =	sbr.rel @p1 .LBB2_5-.Ltmp4, $2  }
0x48: {  	_ =	sdelay $0x2  }
0x49: {  	s15 =	sadd.s32 $0x400, s15;
	s17 =	sadd.s32 s17, s13  }
.Ltmp5:
0x4a: {  	_ = 	snop;
	(pc) =	sbr.rel .LBB2_6-.Ltmp5, $1  }
0x4b: {  	_ =	sdelay $0x3  }
.LBB2_8:
0x4c: {  	_ =	sfence.sel $0x180000  }
0x4d: {  	s2 =	simm.s32 $0x2;
	[bflag:$0x0] =	sbarrier.arrive $0xFFFF  }
0x4e: {  	s30 =	simm.s32 $0x3;
	[sflag:s2] =	ssyncpa.u1 $0x1  }
0x4f: {  	s31 =	simm.s32 $0x1;
	[sflag:s30] =	ssyncpa.u1 $0x1  }
0x50: {  	[sflag:s31] =	ssyncpa.u1 $0x1  }
0x51: {  	p0 =	sne.s32 s0, $0x0;
	_ =	strace $0x90000047  }
0x52: {  	s0 =	sadd.s32 @!p0 $0x100000, s1;
	[bflag:$0x2] =	sbarrier.arrive $0xFFFF  }
0x53: {  	[sflag:s0] =	ssyncadd.tile.s32 @!p0 $0x1;
	_ =	shalt  }
.Lfunc_end2:
_tile_overlayer_lowered:
.L_overlay_start_2:
0x54: {  	(tag) =	ssettag $0x2  }
0x55: {  	s0 =	rddreg [dreg:$0x0];
	s2 =	stileid.u32  }
0x56: {  	s1 =	rddreg [dreg:$0x1];
	p0 =	sne.s32 s2, $0x0  }
0x57: {  	s3 =	rddreg [dreg:$0x2];
	[bflag:$0x3] =	sbarrier.arrive $0xFFFF;
	s2 =	simm.s32 @!p0 $0x1C01  }
0x58: {  	[timem:s3], [sflag:s2] =	dma.local @!p0 [hbm:s0], s1  }
0x59: {  	s0 =	simm.s32 @!p0 $0x1  }
0x5a: {  	_ =	swait.ge @!p0 [sflag:s0], s1  }
0x5b: {  	s1 =	ssub.s32 @!p0 $0x0, s1;
	[sflag:s0] =	ssyncset.done @!p0 $0x0  }
0x5c: {  	[sflag:s0] =	ssyncadd.s32 @!p0 s1  }
0x5d: {  	[bflag:$0x3] =	sbarrier.arrive $0xFFFF  }
0x5e: {  	_ =	shalt  }

</sc_bundles>
